<compile_context>
chip_gen: v7x
topology: tpu7x:2x2x1
jax: 0.10.2.dev20260603
libtpu: 0.0.44.dev20260713+nightly
codegen_flags: <defaults>
</compile_context>

<pallas_src>
import functools

import jax
import jax.numpy as jnp
from jax import lax
from jax.experimental import pallas as pl
from jax.experimental.pallas import tpu as pltpu
from jax.experimental.pallas import tpu_sc as plsc

N = 10000
D = 128
E = 320000
NCLASS = 40

NC = 2
NS = 16
NW = NC * NS
CHUNK = 80
CPW = 125
EPW = CPW * CHUNK
ROWS_PER_TILE = 640
NPAD = NS * ROWS_PER_TILE

ROW_BLK = 5000


def _spmm_partials(support, src1d, dst2d, zeros):
    mesh = plsc.VectorSubcoreMesh(core_axis_name="c", subcore_axis_name="s")

    @functools.partial(
        pl.kernel,
        out_type=jax.ShapeDtypeStruct((NC, NPAD, D), jnp.float32),
        mesh=mesh,
        scratch_types=[
            pltpu.VMEM((EPW,), jnp.int32),
            pltpu.VMEM((CPW, CHUNK), jnp.int32),
            pltpu.VMEM((CHUNK, D), jnp.float32),
            pltpu.VMEM((CHUNK, D), jnp.float32),
            pltpu.VMEM_SHARED((NPAD, D), jnp.float32),
            pltpu.SemaphoreType.DMA,
            pltpu.SemaphoreType.DMA,
        ],
    )
    def k(support_hbm, src_hbm, dst_hbm, zeros_hbm, out_hbm,
          src_v, dst_v, buf0, buf1, acc, sem0, sem1):
        c = lax.axis_index("c")
        s = lax.axis_index("s")
        w = c * NS + s

        zslice = acc.at[pl.ds(s * ROWS_PER_TILE, ROWS_PER_TILE)]
        pltpu.async_copy(zeros_hbm, zslice, sem0)
        pltpu.async_copy(src_hbm.at[pl.ds(w * EPW, EPW)], src_v, sem1)
        pltpu.make_async_copy(zeros_hbm, zslice, sem0).wait()
        pltpu.make_async_copy(src_hbm.at[pl.ds(w * EPW, EPW)], src_v, sem1).wait()
        pltpu.sync_copy(dst_hbm.at[w], dst_v)
        plsc.subcore_barrier()

        def gather(j, buf, sem):
            return pltpu.async_copy(
                support_hbm.at[src_v.at[pl.ds(j * CHUNK, CHUNK)]], buf, sem)

        def gwait(j, buf, sem):
            pltpu.make_async_copy(
                support_hbm.at[src_v.at[pl.ds(j * CHUNK, CHUNK)]], buf, sem).wait()

        def scatter(j, buf):
            pltpu.sync_copy(buf, acc.at[dst_v.at[j]], add=True)

        gather(0, buf0, sem0)

        def pair(i, carry):
            j0 = 2 * i
            j1 = j0 + 1
            gather(j1, buf1, sem1)
            gwait(j0, buf0, sem0)
            scatter(j0, buf0)
            gather(j0 + 2, buf0, sem0)
            gwait(j1, buf1, sem1)
            scatter(j1, buf1)
            return carry

        lax.fori_loop(0, (CPW - 1) // 2, pair, 0)
        gwait(CPW - 1, buf0, sem0)
        scatter(CPW - 1, buf0)
        plsc.subcore_barrier()

        pltpu.sync_copy(
            acc.at[pl.ds(s * ROWS_PER_TILE, ROWS_PER_TILE)],
            out_hbm.at[c, pl.ds(s * ROWS_PER_TILE, ROWS_PER_TILE)],
        )

    return k(support, src1d, dst2d, zeros)


def _mm1_body(x_ref, w_ref, o_ref):
    o_ref[...] = jnp.dot(x_ref[...], w_ref[...], preferred_element_type=jnp.float32)


def _mm1(x, W1):
    return pl.pallas_call(
        _mm1_body,
        grid=(N // ROW_BLK,),
        in_specs=[
            pl.BlockSpec((ROW_BLK, D), lambda i: (i, 0)),
            pl.BlockSpec((D, D), lambda i: (0, 0)),
        ],
        out_specs=pl.BlockSpec((ROW_BLK, D), lambda i: (i, 0)),
        out_shape=jax.ShapeDtypeStruct((N, D), jnp.float32),
    )(x, W1)


def _comb_mm_body(p_ref, b_ref, w_ref, o_ref):
    h = jnp.maximum(p_ref[0] + p_ref[1] + b_ref[...], 0.0)
    o_ref[...] = jnp.dot(h, w_ref[...], preferred_element_type=jnp.float32)


def _comb_mm(partials, b, W):
    return pl.pallas_call(
        _comb_mm_body,
        grid=(N // ROW_BLK,),
        in_specs=[
            pl.BlockSpec((NC, ROW_BLK, D), lambda i: (0, i, 0)),
            pl.BlockSpec((1, D), lambda i: (0, 0)),
            pl.BlockSpec((D, D), lambda i: (0, 0)),
        ],
        out_specs=pl.BlockSpec((ROW_BLK, D), lambda i: (i, 0)),
        out_shape=jax.ShapeDtypeStruct((N, D), jnp.float32),
    )(partials, b.reshape(1, D), W)


def _final_body(p_ref, b_ref, w_ref, fcb_ref, o_ref):
    h = jnp.maximum(p_ref[0] + p_ref[1] + b_ref[...], 0.0)
    logits = jnp.dot(h, w_ref[...], preferred_element_type=jnp.float32) + fcb_ref[...]
    m = jnp.max(logits, axis=1, keepdims=True)
    shifted = logits - m
    lse = jnp.log(jnp.sum(jnp.exp(shifted), axis=1, keepdims=True))
    o_ref[...] = shifted - lse


def _final(partials, b, fcW, fcb):
    return pl.pallas_call(
        _final_body,
        grid=(N // ROW_BLK,),
        in_specs=[
            pl.BlockSpec((NC, ROW_BLK, D), lambda i: (0, i, 0)),
            pl.BlockSpec((1, D), lambda i: (0, 0)),
            pl.BlockSpec((D, NCLASS), lambda i: (0, 0)),
            pl.BlockSpec((1, NCLASS), lambda i: (0, 0)),
        ],
        out_specs=pl.BlockSpec((ROW_BLK, NCLASS), lambda i: (i, 0)),
        out_shape=jax.ShapeDtypeStruct((N, NCLASS), jnp.float32),
    )(partials, b.reshape(1, D), fcW, fcb.reshape(1, NCLASS))


def kernel(x, edge_index, W1, b1, W2, b2, fcW, fcb):
    src1d = edge_index[0]
    dst2d = edge_index[1].reshape(NW, CPW, CHUNK)
    zeros = jnp.zeros((ROWS_PER_TILE, D), jnp.float32)

    support1 = _mm1(x, W1)
    p1 = _spmm_partials(support1, src1d, dst2d, zeros)
    support2 = _comb_mm(p1, b1, W2)
    p2 = _spmm_partials(support2, src1d, dst2d, zeros)
    return _final(p2, b2, fcW, fcb)

# --- scband reference (transcript-rebuilt; emitter-appended) ---
"""Pipeline reference for scband-gcn-23897198035237 (READ-ONLY COPY).

The authoritative reference and input builder live on the scoring server;
editing this copy changes nothing except your own understanding.
"""

import jax, jax.numpy as jnp
import numpy as np

N = 10000
E = 320000
NFEAT = 128
DIM = 128
NCLASS = 40


def setup_inputs(seed: int = 0) -> dict:
    key = jax.random.key(seed)
    ks = jax.random.split(key, 8)
    x = jax.random.normal(ks[0], (N, NFEAT), dtype=jnp.float32)
    edge_index = jax.random.randint(ks[1], (2, E), 0, N, dtype=jnp.int32)
    W1 = jax.random.normal(ks[2], (NFEAT, DIM), dtype=jnp.float32) * (1.0 / np.sqrt(NFEAT))
    b1 = jnp.zeros((DIM,), dtype=jnp.float32)
    W2 = jax.random.normal(ks[3], (DIM, DIM), dtype=jnp.float32) * (1.0 / np.sqrt(DIM))
    b2 = jnp.zeros((DIM,), dtype=jnp.float32)
    fcW = jax.random.normal(ks[4], (DIM, NCLASS), dtype=jnp.float32) * (1.0 / np.sqrt(DIM))
    fcb = jnp.zeros((NCLASS,), dtype=jnp.float32)
    return {"x": x, "edge_index": edge_index, "W1": W1, "b1": b1, "W2": W2, "b2": b2, "fcW": fcW, "fcb": fcb}


def reference(x, edge_index, W1, b1, W2, b2, fcW, fcb):
    # GraphConv(in, out): support = x @ W + b ; out = adj @ support
    # adj represented as edge_index [2, E] (src, dst); SpMM = gather + scatter-add.
    src = edge_index[0]
    dst = edge_index[1]

    def spmm(h):
        msgs = jnp.take(h, src, axis=0)          # gather over source nodes
        return jax.ops.segment_sum(msgs, dst, num_segments=N)  # scatter-add to dst

    # gc1 + relu (dropout is identity at inference)
    h = spmm(x @ W1) + b1
    h = jax.nn.relu(h)
    # gc2 + relu
    h = spmm(h @ W2) + b2
    h = jax.nn.relu(h)
    # final linear + log_softmax
    logits = h @ fcW + fcb
    return jax.nn.log_softmax(logits, axis=1)

if __name__ == "__main__":
    import jax
    _d = setup_inputs()
    print(jax.jit(kernel)(*tuple(_d.values())))

</pallas_src>

<mosaic_0001>
#map = affine_map<(d0, d1) -> (0, 0)>
#map1 = affine_map<(d0, d1) -> (0)>
#map2 = affine_map<(d0, d1) -> (0, 0, 0)>
module attributes {stable_mosaic.version = 14 : i64} {
  func.func @k(%arg0: i32, %arg1: i32, %arg2: memref<10000x128xf32, #tpu.memory_space<hbm>>, %arg3: memref<320000xi32, #tpu.memory_space<hbm>>, %arg4: memref<32x125x80xi32, #tpu.memory_space<hbm>>, %arg5: memref<640x128xf32, #tpu.memory_space<hbm>>, %arg6: memref<2x10240x128xf32, #tpu.memory_space<hbm>>, %arg7: memref<10000xi32, #tpu.memory_space<vmem>>, %arg8: memref<125x80xi32, #tpu.memory_space<vmem>>, %arg9: memref<80x128xf32, #tpu.memory_space<vmem>>, %arg10: memref<80x128xf32, #tpu.memory_space<vmem>>, %arg11: memref<10240x128xf32, #tpu.memory_space<vmem_shared>>, %arg12: memref<!tpu.dma_semaphore, #tpu.memory_space<semaphore_mem>>, %arg13: memref<!tpu.dma_semaphore, #tpu.memory_space<semaphore_mem>>) attributes {dimension_semantics = [#tpu.dimension_semantics<core_parallel>, #tpu.dimension_semantics<subcore_parallel>], iteration_bounds = array<i64: 2, 16>, scalar_prefetch = 0 : i64, scratch_operands = 7 : i64, tpu.core_type = #tpu.core_type<sc_vector_subcore>, window_params = [{transform_indices = #map}, {transform_indices = #map1}, {transform_indices = #map2}, {transform_indices = #map}, {transform_indices = #map2}]} {
    %mul3A = arith.constant 16 : i32
    %mul3A_0 = arith.muli %arg0, %mul3A : i32
    %add3A = arith.addi %mul3A_0, %arg1 : i32
    %mul3A_1 = arith.constant 640 : i32
    %mul3A_2 = arith.muli %arg1, %mul3A_1 : i32
    %dma_start3A = arith.constant 0 : i32
    %dma_start3A_3 = tpu.memref_slice %arg11[%mul3A_2, %dma_start3A] : memref<10240x128xf32, #tpu.memory_space<vmem_shared>> -> memref<640x128xf32, #tpu.memory_space<vmem_shared>>
    tpu.enqueue_dma source(%arg5 : memref<640x128xf32, #tpu.memory_space<hbm>>) target(%dma_start3A_3 : memref<640x128xf32, #tpu.memory_space<vmem_shared>>) target_semaphore(%arg12 : memref<!tpu.dma_semaphore, #tpu.memory_space<semaphore_mem>>)
    %mul3A_4 = arith.constant 10000 : i32
    %mul3A_5 = arith.muli %add3A, %mul3A_4 : i32
    %dma_start3A_6 = tpu.memref_slice %arg3[%mul3A_5] : memref<320000xi32, #tpu.memory_space<hbm>> -> memref<10000xi32, #tpu.memory_space<hbm>>
    %dma_start3A_7 = tpu.memref_slice %arg3[%mul3A_5] : memref<320000xi32, #tpu.memory_space<hbm>> -> memref<10000xi32, #tpu.memory_space<hbm>>
    tpu.enqueue_dma source(%dma_start3A_7 : memref<10000xi32, #tpu.memory_space<hbm>>) target(%arg7 : memref<10000xi32, #tpu.memory_space<vmem>>) target_semaphore(%arg13 : memref<!tpu.dma_semaphore, #tpu.memory_space<semaphore_mem>>)
    %dma_wait3A = arith.constant 0 : i32
    %dma_wait3A_8 = tpu.memref_slice %arg11[%mul3A_2, %dma_wait3A] : memref<10240x128xf32, #tpu.memory_space<vmem_shared>> -> memref<640x128xf32, #tpu.memory_space<vmem_shared>>
    tpu.wait_dma2 semaphore(%arg12 : memref<!tpu.dma_semaphore, #tpu.memory_space<semaphore_mem>>) src(%arg5 : memref<640x128xf32, #tpu.memory_space<hbm>>) dst(%dma_wait3A_8 : memref<640x128xf32, #tpu.memory_space<vmem_shared>>)
    %mul3A_9 = arith.constant 10000 : i32
    %mul3A_10 = arith.muli %add3A, %mul3A_9 : i32
    %dma_wait3A_11 = tpu.memref_slice %arg3[%mul3A_10] : memref<320000xi32, #tpu.memory_space<hbm>> -> memref<10000xi32, #tpu.memory_space<hbm>>
    %dma_wait3A_12 = tpu.memref_slice %arg3[%mul3A_10] : memref<320000xi32, #tpu.memory_space<hbm>> -> memref<10000xi32, #tpu.memory_space<hbm>>
    tpu.wait_dma2 semaphore(%arg13 : memref<!tpu.dma_semaphore, #tpu.memory_space<semaphore_mem>>) src(%dma_wait3A_12 : memref<10000xi32, #tpu.memory_space<hbm>>) dst(%arg7 : memref<10000xi32, #tpu.memory_space<vmem>>)
    "tpu.region"() ({
      %run_scoped3A_33 = tpu.sem_alloc : memref<!tpu.dma_semaphore, #tpu.memory_space<semaphore_mem>>
      %dma_start3A_34 = arith.constant 0 : i32
      %dma_start3A_35 = arith.constant 0 : i32
      %dma_start3A_36 = tpu.memref_slice %arg4[%add3A, %dma_start3A_34, %dma_start3A_35] : memref<32x125x80xi32, #tpu.memory_space<hbm>> -> memref<1x125x80xi32, #tpu.memory_space<hbm>>
      %dma_start3A_37 = tpu.memref_squeeze %dma_start3A_36 : memref<1x125x80xi32, #tpu.memory_space<hbm>> -> memref<125x80xi32, #tpu.memory_space<hbm>>
      %dma_start3A_38 = arith.constant 0 : i32
      %dma_start3A_39 = arith.constant 0 : i32
      %dma_start3A_40 = tpu.memref_slice %arg4[%add3A, %dma_start3A_38, %dma_start3A_39] : memref<32x125x80xi32, #tpu.memory_space<hbm>> -> memref<1x125x80xi32, #tpu.memory_space<hbm>>
      %dma_start3A_41 = tpu.memref_squeeze %dma_start3A_40 : memref<1x125x80xi32, #tpu.memory_space<hbm>> -> memref<125x80xi32, #tpu.memory_space<hbm>>
      tpu.enqueue_dma source(%dma_start3A_41 : memref<125x80xi32, #tpu.memory_space<hbm>>) target(%arg8 : memref<125x80xi32, #tpu.memory_space<vmem>>) target_semaphore(%run_scoped3A_33 : memref<!tpu.dma_semaphore, #tpu.memory_space<semaphore_mem>>)
      %dma_wait3A_42 = arith.constant 0 : i32
      %dma_wait3A_43 = arith.constant 0 : i32
      %dma_wait3A_44 = tpu.memref_slice %arg4[%add3A, %dma_wait3A_42, %dma_wait3A_43] : memref<32x125x80xi32, #tpu.memory_space<hbm>> -> memref<1x125x80xi32, #tpu.memory_space<hbm>>
      %dma_wait3A_45 = tpu.memref_squeeze %dma_wait3A_44 : memref<1x125x80xi32, #tpu.memory_space<hbm>> -> memref<125x80xi32, #tpu.memory_space<hbm>>
      %dma_wait3A_46 = arith.constant 0 : i32
      %dma_wait3A_47 = arith.constant 0 : i32
      %dma_wait3A_48 = tpu.memref_slice %arg4[%add3A, %dma_wait3A_46, %dma_wait3A_47] : memref<32x125x80xi32, #tpu.memory_space<hbm>> -> memref<1x125x80xi32, #tpu.memory_space<hbm>>
      %dma_wait3A_49 = tpu.memref_squeeze %dma_wait3A_48 : memref<1x125x80xi32, #tpu.memory_space<hbm>> -> memref<125x80xi32, #tpu.memory_space<hbm>>
      tpu.wait_dma2 semaphore(%run_scoped3A_33 : memref<!tpu.dma_semaphore, #tpu.memory_space<semaphore_mem>>) src(%dma_wait3A_49 : memref<125x80xi32, #tpu.memory_space<hbm>>) dst(%arg8 : memref<125x80xi32, #tpu.memory_space<vmem>>)
      tpu.yield
    }) : () -> ()
    %barrier3A = arith.constant 0 : index
    tpu.barrier barrier_id(%barrier3A)
    %dma_start3A_13 = arith.constant 0 : i32
    %dma_start3A_14 = tpu.memref_slice %arg7[%dma_start3A_13] : memref<10000xi32, #tpu.memory_space<vmem>> -> memref<80xi32, #tpu.memory_space<vmem>>
    %dma_start3A_15 = arith.constant 0 : i32
    %dma_start3A_16 = arith.constant 0 : i32
    %dma_start3A_17 = tpu.memref_slice %arg2[%dma_start3A_15, %dma_start3A_16] : memref<10000x128xf32, #tpu.memory_space<hbm>> -> memref<10000x128xf32, #tpu.memory_space<hbm>>
    tpu.enqueue_indirect_dma source(%dma_start3A_17 : memref<10000x128xf32, #tpu.memory_space<hbm>>) target(%arg9 : memref<80x128xf32, #tpu.memory_space<vmem>>) offsets(%dma_start3A_14 : memref<80xi32, #tpu.memory_space<vmem>>) semaphore(%arg12 : memref<!tpu.dma_semaphore, #tpu.memory_space<semaphore_mem>>)
    %scan3A = arith.constant 0 : i32
    %scan3A_18 = arith.constant 0 : i32
    %scan3A_19 = arith.constant 62 : i32
    %scan3A_20 = arith.addi %scan3A_18, %scan3A_19 : i32
    %scan3A_21 = arith.constant 1 : i32
    scf.for %scan3A_33 = %scan3A_18 to %scan3A_20 step %scan3A_21  : i32 {
      %mul3A_34 = arith.constant 2 : i32
      %mul3A_35 = arith.muli %mul3A_34, %scan3A_33 : i32
      %add3A_36 = arith.constant 1 : i32
      %add3A_37 = arith.addi %mul3A_35, %add3A_36 : i32
      %mul3A_38 = arith.constant 80 : i32
      %mul3A_39 = arith.muli %add3A_37, %mul3A_38 : i32
      %dma_start3A_40 = tpu.memref_slice %arg7[%mul3A_39] : memref<10000xi32, #tpu.memory_space<vmem>> -> memref<80xi32, #tpu.memory_space<vmem>>
      %dma_start3A_41 = arith.constant 0 : i32
      %dma_start3A_42 = arith.constant 0 : i32
      %dma_start3A_43 = tpu.memref_slice %arg2[%dma_start3A_41, %dma_start3A_42] : memref<10000x128xf32, #tpu.memory_space<hbm>> -> memref<10000x128xf32, #tpu.memory_space<hbm>>
      tpu.enqueue_indirect_dma source(%dma_start3A_43 : memref<10000x128xf32, #tpu.memory_space<hbm>>) target(%arg10 : memref<80x128xf32, #tpu.memory_space<vmem>>) offsets(%dma_start3A_40 : memref<80xi32, #tpu.memory_space<vmem>>) semaphore(%arg13 : memref<!tpu.dma_semaphore, #tpu.memory_space<semaphore_mem>>)
      %mul3A_44 = arith.constant 80 : i32
      %mul3A_45 = arith.muli %mul3A_35, %mul3A_44 : i32
      %dma_wait3A_46 = tpu.memref_slice %arg7[%mul3A_45] : memref<10000xi32, #tpu.memory_space<vmem>> -> memref<80xi32, #tpu.memory_space<vmem>>
      %dma_wait3A_47 = arith.constant 0 : i32
      %dma_wait3A_48 = arith.constant 0 : i32
      %dma_wait3A_49 = tpu.memref_slice %arg2[%dma_wait3A_47, %dma_wait3A_48] : memref<10000x128xf32, #tpu.memory_space<hbm>> -> memref<10000x128xf32, #tpu.memory_space<hbm>>
      tpu.wait_indirect_dma semaphore(%arg12 : memref<!tpu.dma_semaphore, #tpu.memory_space<semaphore_mem>>) src(%dma_wait3A_49 : memref<10000x128xf32, #tpu.memory_space<hbm>>) dst(%arg9 : memref<80x128xf32, #tpu.memory_space<vmem>>)
      "tpu.region"() ({
        %run_scoped3A_64 = tpu.sem_alloc : memref<!tpu.dma_semaphore, #tpu.memory_space<semaphore_mem>>
        %dma_start3A_65 = arith.constant 0 : i32
        %dma_start3A_66 = tpu.memref_slice %arg8[%mul3A_35, %dma_start3A_65] : memref<125x80xi32, #tpu.memory_space<vmem>> -> memref<1x80xi32, #tpu.memory_space<vmem>>
        %dma_start3A_67 = tpu.memref_squeeze %dma_start3A_66 : memref<1x80xi32, #tpu.memory_space<vmem>> -> memref<80xi32, #tpu.memory_space<vmem>>
        %dma_start3A_68 = arith.constant 0 : i32
        %dma_start3A_69 = arith.constant 0 : i32
        %dma_start3A_70 = tpu.memref_slice %arg11[%dma_start3A_68, %dma_start3A_69] : memref<10240x128xf32, #tpu.memory_space<vmem_shared>> -> memref<10240x128xf32, #tpu.memory_space<vmem_shared>>
        tpu.enqueue_indirect_dma source(%arg9 : memref<80x128xf32, #tpu.memory_space<vmem>>) target(%dma_start3A_70 : memref<10240x128xf32, #tpu.memory_space<vmem_shared>>) offsets(%dma_start3A_67 : memref<80xi32, #tpu.memory_space<vmem>>) semaphore(%run_scoped3A_64 : memref<!tpu.dma_semaphore, #tpu.memory_space<semaphore_mem>>) {add = true}
        %dma_wait3A_71 = arith.constant 0 : i32
        %dma_wait3A_72 = tpu.memref_slice %arg8[%mul3A_35, %dma_wait3A_71] : memref<125x80xi32, #tpu.memory_space<vmem>> -> memref<1x80xi32, #tpu.memory_space<vmem>>
        %dma_wait3A_73 = tpu.memref_squeeze %dma_wait3A_72 : memref<1x80xi32, #tpu.memory_space<vmem>> -> memref<80xi32, #tpu.memory_space<vmem>>
        %dma_wait3A_74 = arith.constant 0 : i32
        %dma_wait3A_75 = arith.constant 0 : i32
        %dma_wait3A_76 = tpu.memref_slice %arg11[%dma_wait3A_74, %dma_wait3A_75] : memref<10240x128xf32, #tpu.memory_space<vmem_shared>> -> memref<10240x128xf32, #tpu.memory_space<vmem_shared>>
        tpu.wait_indirect_dma semaphore(%run_scoped3A_64 : memref<!tpu.dma_semaphore, #tpu.memory_space<semaphore_mem>>) src(%arg9 : memref<80x128xf32, #tpu.memory_space<vmem>>) dst(%dma_wait3A_76 : memref<10240x128xf32, #tpu.memory_space<vmem_shared>>)
        tpu.yield
      }) : () -> ()
      %add3A_50 = arith.constant 2 : i32
      %add3A_51 = arith.addi %mul3A_35, %add3A_50 : i32
      %mul3A_52 = arith.constant 80 : i32
      %mul3A_53 = arith.muli %add3A_51, %mul3A_52 : i32
      %dma_start3A_54 = tpu.memref_slice %arg7[%mul3A_53] : memref<10000xi32, #tpu.memory_space<vmem>> -> memref<80xi32, #tpu.memory_space<vmem>>
      %dma_start3A_55 = arith.constant 0 : i32
      %dma_start3A_56 = arith.constant 0 : i32
      %dma_start3A_57 = tpu.memref_slice %arg2[%dma_start3A_55, %dma_start3A_56] : memref<10000x128xf32, #tpu.memory_space<hbm>> -> memref<10000x128xf32, #tpu.memory_space<hbm>>
      tpu.enqueue_indirect_dma source(%dma_start3A_57 : memref<10000x128xf32, #tpu.memory_space<hbm>>) target(%arg9 : memref<80x128xf32, #tpu.memory_space<vmem>>) offsets(%dma_start3A_54 : memref<80xi32, #tpu.memory_space<vmem>>) semaphore(%arg12 : memref<!tpu.dma_semaphore, #tpu.memory_space<semaphore_mem>>)
      %mul3A_58 = arith.constant 80 : i32
      %mul3A_59 = arith.muli %add3A_37, %mul3A_58 : i32
      %dma_wait3A_60 = tpu.memref_slice %arg7[%mul3A_59] : memref<10000xi32, #tpu.memory_space<vmem>> -> memref<80xi32, #tpu.memory_space<vmem>>
      %dma_wait3A_61 = arith.constant 0 : i32
      %dma_wait3A_62 = arith.constant 0 : i32
      %dma_wait3A_63 = tpu.memref_slice %arg2[%dma_wait3A_61, %dma_wait3A_62] : memref<10000x128xf32, #tpu.memory_space<hbm>> -> memref<10000x128xf32, #tpu.memory_space<hbm>>
      tpu.wait_indirect_dma semaphore(%arg13 : memref<!tpu.dma_semaphore, #tpu.memory_space<semaphore_mem>>) src(%dma_wait3A_63 : memref<10000x128xf32, #tpu.memory_space<hbm>>) dst(%arg10 : memref<80x128xf32, #tpu.memory_space<vmem>>)
      "tpu.region"() ({
        %run_scoped3A_64 = tpu.sem_alloc : memref<!tpu.dma_semaphore, #tpu.memory_space<semaphore_mem>>
        %dma_start3A_65 = arith.constant 0 : i32
        %dma_start3A_66 = tpu.memref_slice %arg8[%add3A_37, %dma_start3A_65] : memref<125x80xi32, #tpu.memory_space<vmem>> -> memref<1x80xi32, #tpu.memory_space<vmem>>
        %dma_start3A_67 = tpu.memref_squeeze %dma_start3A_66 : memref<1x80xi32, #tpu.memory_space<vmem>> -> memref<80xi32, #tpu.memory_space<vmem>>
        %dma_start3A_68 = arith.constant 0 : i32
        %dma_start3A_69 = arith.constant 0 : i32
        %dma_start3A_70 = tpu.memref_slice %arg11[%dma_start3A_68, %dma_start3A_69] : memref<10240x128xf32, #tpu.memory_space<vmem_shared>> -> memref<10240x128xf32, #tpu.memory_space<vmem_shared>>
        tpu.enqueue_indirect_dma source(%arg10 : memref<80x128xf32, #tpu.memory_space<vmem>>) target(%dma_start3A_70 : memref<10240x128xf32, #tpu.memory_space<vmem_shared>>) offsets(%dma_start3A_67 : memref<80xi32, #tpu.memory_space<vmem>>) semaphore(%run_scoped3A_64 : memref<!tpu.dma_semaphore, #tpu.memory_space<semaphore_mem>>) {add = true}
        %dma_wait3A_71 = arith.constant 0 : i32
        %dma_wait3A_72 = tpu.memref_slice %arg8[%add3A_37, %dma_wait3A_71] : memref<125x80xi32, #tpu.memory_space<vmem>> -> memref<1x80xi32, #tpu.memory_space<vmem>>
        %dma_wait3A_73 = tpu.memref_squeeze %dma_wait3A_72 : memref<1x80xi32, #tpu.memory_space<vmem>> -> memref<80xi32, #tpu.memory_space<vmem>>
        %dma_wait3A_74 = arith.constant 0 : i32
        %dma_wait3A_75 = arith.constant 0 : i32
        %dma_wait3A_76 = tpu.memref_slice %arg11[%dma_wait3A_74, %dma_wait3A_75] : memref<10240x128xf32, #tpu.memory_space<vmem_shared>> -> memref<10240x128xf32, #tpu.memory_space<vmem_shared>>
        tpu.wait_indirect_dma semaphore(%run_scoped3A_64 : memref<!tpu.dma_semaphore, #tpu.memory_space<semaphore_mem>>) src(%arg10 : memref<80x128xf32, #tpu.memory_space<vmem>>) dst(%dma_wait3A_76 : memref<10240x128xf32, #tpu.memory_space<vmem_shared>>)
        tpu.yield
      }) : () -> ()
    }
    %scan3A_22 = arith.constant 62 : i32
    %dma_wait3A_23 = arith.constant 9920 : i32
    %dma_wait3A_24 = tpu.memref_slice %arg7[%dma_wait3A_23] : memref<10000xi32, #tpu.memory_space<vmem>> -> memref<80xi32, #tpu.memory_space<vmem>>
    %dma_wait3A_25 = arith.constant 0 : i32
    %dma_wait3A_26 = arith.constant 0 : i32
    %dma_wait3A_27 = tpu.memref_slice %arg2[%dma_wait3A_25, %dma_wait3A_26] : memref<10000x128xf32, #tpu.memory_space<hbm>> -> memref<10000x128xf32, #tpu.memory_space<hbm>>
    tpu.wait_indirect_dma semaphore(%arg12 : memref<!tpu.dma_semaphore, #tpu.memory_space<semaphore_mem>>) src(%dma_wait3A_27 : memref<10000x128xf32, #tpu.memory_space<hbm>>) dst(%arg9 : memref<80x128xf32, #tpu.memory_space<vmem>>)
    %run_scoped3A = arith.constant 124 : i32
    "tpu.region"() ({
      %run_scoped3A_33 = tpu.sem_alloc : memref<!tpu.dma_semaphore, #tpu.memory_space<semaphore_mem>>
      %dma_start3A_34 = arith.constant 0 : i32
      %dma_start3A_35 = tpu.memref_slice %arg8[%run_scoped3A, %dma_start3A_34] : memref<125x80xi32, #tpu.memory_space<vmem>> -> memref<1x80xi32, #tpu.memory_space<vmem>>
      %dma_start3A_36 = tpu.memref_squeeze %dma_start3A_35 : memref<1x80xi32, #tpu.memory_space<vmem>> -> memref<80xi32, #tpu.memory_space<vmem>>
      %dma_start3A_37 = arith.constant 0 : i32
      %dma_start3A_38 = arith.constant 0 : i32
      %dma_start3A_39 = tpu.memref_slice %arg11[%dma_start3A_37, %dma_start3A_38] : memref<10240x128xf32, #tpu.memory_space<vmem_shared>> -> memref<10240x128xf32, #tpu.memory_space<vmem_shared>>
      tpu.enqueue_indirect_dma source(%arg9 : memref<80x128xf32, #tpu.memory_space<vmem>>) target(%dma_start3A_39 : memref<10240x128xf32, #tpu.memory_space<vmem_shared>>) offsets(%dma_start3A_36 : memref<80xi32, #tpu.memory_space<vmem>>) semaphore(%run_scoped3A_33 : memref<!tpu.dma_semaphore, #tpu.memory_space<semaphore_mem>>) {add = true}
      %dma_wait3A_40 = arith.constant 0 : i32
      %dma_wait3A_41 = tpu.memref_slice %arg8[%run_scoped3A, %dma_wait3A_40] : memref<125x80xi32, #tpu.memory_space<vmem>> -> memref<1x80xi32, #tpu.memory_space<vmem>>
      %dma_wait3A_42 = tpu.memref_squeeze %dma_wait3A_41 : memref<1x80xi32, #tpu.memory_space<vmem>> -> memref<80xi32, #tpu.memory_space<vmem>>
      %dma_wait3A_43 = arith.constant 0 : i32
      %dma_wait3A_44 = arith.constant 0 : i32
      %dma_wait3A_45 = tpu.memref_slice %arg11[%dma_wait3A_43, %dma_wait3A_44] : memref<10240x128xf32, #tpu.memory_space<vmem_shared>> -> memref<10240x128xf32, #tpu.memory_space<vmem_shared>>
      tpu.wait_indirect_dma semaphore(%run_scoped3A_33 : memref<!tpu.dma_semaphore, #tpu.memory_space<semaphore_mem>>) src(%arg9 : memref<80x128xf32, #tpu.memory_space<vmem>>) dst(%dma_wait3A_45 : memref<10240x128xf32, #tpu.memory_space<vmem_shared>>)
      tpu.yield
    }) : () -> ()
    %barrier3A_28 = arith.constant 0 : index
    tpu.barrier barrier_id(%barrier3A_28)
    %mul3A_29 = arith.constant 640 : i32
    %mul3A_30 = arith.muli %arg1, %mul3A_29 : i32
    %mul3A_31 = arith.constant 640 : i32
    %mul3A_32 = arith.muli %arg1, %mul3A_31 : i32
    "tpu.region"() ({
      %run_scoped3A_33 = tpu.sem_alloc : memref<!tpu.dma_semaphore, #tpu.memory_space<semaphore_mem>>
      %dma_start3A_34 = arith.constant 0 : i32
      %dma_start3A_35 = tpu.memref_slice %arg6[%arg0, %mul3A_32, %dma_start3A_34] : memref<2x10240x128xf32, #tpu.memory_space<hbm>> -> memref<1x640x128xf32, #tpu.memory_space<hbm>>
      %dma_start3A_36 = tpu.memref_squeeze %dma_start3A_35 : memref<1x640x128xf32, #tpu.memory_space<hbm>> -> memref<640x128xf32, #tpu.memory_space<hbm>>
      %dma_start3A_37 = arith.constant 0 : i32
      %dma_start3A_38 = tpu.memref_slice %arg11[%mul3A_30, %dma_start3A_37] : memref<10240x128xf32, #tpu.memory_space<vmem_shared>> -> memref<640x128xf32, #tpu.memory_space<vmem_shared>>
      tpu.enqueue_dma source(%dma_start3A_38 : memref<640x128xf32, #tpu.memory_space<vmem_shared>>) target(%dma_start3A_36 : memref<640x128xf32, #tpu.memory_space<hbm>>) target_semaphore(%run_scoped3A_33 : memref<!tpu.dma_semaphore, #tpu.memory_space<semaphore_mem>>)
      %dma_wait3A_39 = arith.constant 0 : i32
      %dma_wait3A_40 = tpu.memref_slice %arg6[%arg0, %mul3A_32, %dma_wait3A_39] : memref<2x10240x128xf32, #tpu.memory_space<hbm>> -> memref<1x640x128xf32, #tpu.memory_space<hbm>>
      %dma_wait3A_41 = tpu.memref_squeeze %dma_wait3A_40 : memref<1x640x128xf32, #tpu.memory_space<hbm>> -> memref<640x128xf32, #tpu.memory_space<hbm>>
      %dma_wait3A_42 = arith.constant 0 : i32
      %dma_wait3A_43 = tpu.memref_slice %arg11[%mul3A_30, %dma_wait3A_42] : memref<10240x128xf32, #tpu.memory_space<vmem_shared>> -> memref<640x128xf32, #tpu.memory_space<vmem_shared>>
      tpu.wait_dma2 semaphore(%run_scoped3A_33 : memref<!tpu.dma_semaphore, #tpu.memory_space<semaphore_mem>>) src(%dma_wait3A_43 : memref<640x128xf32, #tpu.memory_space<vmem_shared>>) dst(%dma_wait3A_41 : memref<640x128xf32, #tpu.memory_space<hbm>>)
      tpu.yield
    }) : () -> ()
    return
  }
}

#map = affine_map<(d0, d1) -> (0, 0)>
#map1 = affine_map<(d0, d1) -> (0)>
#map2 = affine_map<(d0, d1) -> (0, 0, 0)>
module attributes {stable_mosaic.version = 14 : i64} {
  func.func @k(%arg0: i32, %arg1: i32, %arg2: memref<10000x128xf32, #tpu.memory_space<hbm>>, %arg3: memref<320000xi32, #tpu.memory_space<hbm>>, %arg4: memref<32x125x80xi32, #tpu.memory_space<hbm>>, %arg5: memref<640x128xf32, #tpu.memory_space<hbm>>, %arg6: memref<2x10240x128xf32, #tpu.memory_space<hbm>>, %arg7: memref<10000xi32, #tpu.memory_space<vmem>>, %arg8: memref<125x80xi32, #tpu.memory_space<vmem>>, %arg9: memref<80x128xf32, #tpu.memory_space<vmem>>, %arg10: memref<80x128xf32, #tpu.memory_space<vmem>>, %arg11: memref<10240x128xf32, #tpu.memory_space<vmem_shared>>, %arg12: memref<!tpu.dma_semaphore, #tpu.memory_space<semaphore_mem>>, %arg13: memref<!tpu.dma_semaphore, #tpu.memory_space<semaphore_mem>>) attributes {dimension_semantics = [#tpu.dimension_semantics<core_parallel>, #tpu.dimension_semantics<subcore_parallel>], iteration_bounds = array<i64: 2, 16>, scalar_prefetch = 0 : i64, scratch_operands = 7 : i64, tpu.core_type = #tpu.core_type<sc_vector_subcore>, window_params = [{transform_indices = #map}, {transform_indices = #map1}, {transform_indices = #map2}, {transform_indices = #map}, {transform_indices = #map2}]} {
    %mul3A = arith.constant 16 : i32
    %mul3A_0 = arith.muli %arg0, %mul3A : i32
    %add3A = arith.addi %mul3A_0, %arg1 : i32
    %mul3A_1 = arith.constant 640 : i32
    %mul3A_2 = arith.muli %arg1, %mul3A_1 : i32
    %dma_start3A = arith.constant 0 : i32
    %dma_start3A_3 = tpu.memref_slice %arg11[%mul3A_2, %dma_start3A] : memref<10240x128xf32, #tpu.memory_space<vmem_shared>> -> memref<640x128xf32, #tpu.memory_space<vmem_shared>>
    tpu.enqueue_dma source(%arg5 : memref<640x128xf32, #tpu.memory_space<hbm>>) target(%dma_start3A_3 : memref<640x128xf32, #tpu.memory_space<vmem_shared>>) target_semaphore(%arg12 : memref<!tpu.dma_semaphore, #tpu.memory_space<semaphore_mem>>)
    %mul3A_4 = arith.constant 10000 : i32
    %mul3A_5 = arith.muli %add3A, %mul3A_4 : i32
    %dma_start3A_6 = tpu.memref_slice %arg3[%mul3A_5] : memref<320000xi32, #tpu.memory_space<hbm>> -> memref<10000xi32, #tpu.memory_space<hbm>>
    %dma_start3A_7 = tpu.memref_slice %arg3[%mul3A_5] : memref<320000xi32, #tpu.memory_space<hbm>> -> memref<10000xi32, #tpu.memory_space<hbm>>
    tpu.enqueue_dma source(%dma_start3A_7 : memref<10000xi32, #tpu.memory_space<hbm>>) target(%arg7 : memref<10000xi32, #tpu.memory_space<vmem>>) target_semaphore(%arg13 : memref<!tpu.dma_semaphore, #tpu.memory_space<semaphore_mem>>)
    %dma_wait3A = arith.constant 0 : i32
    %dma_wait3A_8 = tpu.memref_slice %arg11[%mul3A_2, %dma_wait3A] : memref<10240x128xf32, #tpu.memory_space<vmem_shared>> -> memref<640x128xf32, #tpu.memory_space<vmem_shared>>
    tpu.wait_dma2 semaphore(%arg12 : memref<!tpu.dma_semaphore, #tpu.memory_space<semaphore_mem>>) src(%arg5 : memref<640x128xf32, #tpu.memory_space<hbm>>) dst(%dma_wait3A_8 : memref<640x128xf32, #tpu.memory_space<vmem_shared>>)
    %mul3A_9 = arith.constant 10000 : i32
    %mul3A_10 = arith.muli %add3A, %mul3A_9 : i32
    %dma_wait3A_11 = tpu.memref_slice %arg3[%mul3A_10] : memref<320000xi32, #tpu.memory_space<hbm>> -> memref<10000xi32, #tpu.memory_space<hbm>>
    %dma_wait3A_12 = tpu.memref_slice %arg3[%mul3A_10] : memref<320000xi32, #tpu.memory_space<hbm>> -> memref<10000xi32, #tpu.memory_space<hbm>>
    tpu.wait_dma2 semaphore(%arg13 : memref<!tpu.dma_semaphore, #tpu.memory_space<semaphore_mem>>) src(%dma_wait3A_12 : memref<10000xi32, #tpu.memory_space<hbm>>) dst(%arg7 : memref<10000xi32, #tpu.memory_space<vmem>>)
    "tpu.region"() ({
      %run_scoped3A_33 = tpu.sem_alloc : memref<!tpu.dma_semaphore, #tpu.memory_space<semaphore_mem>>
      %dma_start3A_34 = arith.constant 0 : i32
      %dma_start3A_35 = arith.constant 0 : i32
      %dma_start3A_36 = tpu.memref_slice %arg4[%add3A, %dma_start3A_34, %dma_start3A_35] : memref<32x125x80xi32, #tpu.memory_space<hbm>> -> memref<1x125x80xi32, #tpu.memory_space<hbm>>
      %dma_start3A_37 = tpu.memref_squeeze %dma_start3A_36 : memref<1x125x80xi32, #tpu.memory_space<hbm>> -> memref<125x80xi32, #tpu.memory_space<hbm>>
      %dma_start3A_38 = arith.constant 0 : i32
      %dma_start3A_39 = arith.constant 0 : i32
      %dma_start3A_40 = tpu.memref_slice %arg4[%add3A, %dma_start3A_38, %dma_start3A_39] : memref<32x125x80xi32, #tpu.memory_space<hbm>> -> memref<1x125x80xi32, #tpu.memory_space<hbm>>
      %dma_start3A_41 = tpu.memref_squeeze %dma_start3A_40 : memref<1x125x80xi32, #tpu.memory_space<hbm>> -> memref<125x80xi32, #tpu.memory_space<hbm>>
      tpu.enqueue_dma source(%dma_start3A_41 : memref<125x80xi32, #tpu.memory_space<hbm>>) target(%arg8 : memref<125x80xi32, #tpu.memory_space<vmem>>) target_semaphore(%run_scoped3A_33 : memref<!tpu.dma_semaphore, #tpu.memory_space<semaphore_mem>>)
      %dma_wait3A_42 = arith.constant 0 : i32
      %dma_wait3A_43 = arith.constant 0 : i32
      %dma_wait3A_44 = tpu.memref_slice %arg4[%add3A, %dma_wait3A_42, %dma_wait3A_43] : memref<32x125x80xi32, #tpu.memory_space<hbm>> -> memref<1x125x80xi32, #tpu.memory_space<hbm>>
      %dma_wait3A_45 = tpu.memref_squeeze %dma_wait3A_44 : memref<1x125x80xi32, #tpu.memory_space<hbm>> -> memref<125x80xi32, #tpu.memory_space<hbm>>
      %dma_wait3A_46 = arith.constant 0 : i32
      %dma_wait3A_47 = arith.constant 0 : i32
      %dma_wait3A_48 = tpu.memref_slice %arg4[%add3A, %dma_wait3A_46, %dma_wait3A_47] : memref<32x125x80xi32, #tpu.memory_space<hbm>> -> memref<1x125x80xi32, #tpu.memory_space<hbm>>
      %dma_wait3A_49 = tpu.memref_squeeze %dma_wait3A_48 : memref<1x125x80xi32, #tpu.memory_space<hbm>> -> memref<125x80xi32, #tpu.memory_space<hbm>>
      tpu.wait_dma2 semaphore(%run_scoped3A_33 : memref<!tpu.dma_semaphore, #tpu.memory_space<semaphore_mem>>) src(%dma_wait3A_49 : memref<125x80xi32, #tpu.memory_space<hbm>>) dst(%arg8 : memref<125x80xi32, #tpu.memory_space<vmem>>)
      tpu.yield
    }) : () -> ()
    %barrier3A = arith.constant 0 : index
    tpu.barrier barrier_id(%barrier3A)
    %dma_start3A_13 = arith.constant 0 : i32
    %dma_start3A_14 = tpu.memref_slice %arg7[%dma_start3A_13] : memref<10000xi32, #tpu.memory_space<vmem>> -> memref<80xi32, #tpu.memory_space<vmem>>
    %dma_start3A_15 = arith.constant 0 : i32
    %dma_start3A_16 = arith.constant 0 : i32
    %dma_start3A_17 = tpu.memref_slice %arg2[%dma_start3A_15, %dma_start3A_16] : memref<10000x128xf32, #tpu.memory_space<hbm>> -> memref<10000x128xf32, #tpu.memory_space<hbm>>
    tpu.enqueue_indirect_dma source(%dma_start3A_17 : memref<10000x128xf32, #tpu.memory_space<hbm>>) target(%arg9 : memref<80x128xf32, #tpu.memory_space<vmem>>) offsets(%dma_start3A_14 : memref<80xi32, #tpu.memory_space<vmem>>) semaphore(%arg12 : memref<!tpu.dma_semaphore, #tpu.memory_space<semaphore_mem>>)
    %scan3A = arith.constant 0 : i32
    %scan3A_18 = arith.constant 0 : i32
    %scan3A_19 = arith.constant 62 : i32
    %scan3A_20 = arith.addi %scan3A_18, %scan3A_19 : i32
    %scan3A_21 = arith.constant 1 : i32
    scf.for %scan3A_33 = %scan3A_18 to %scan3A_20 step %scan3A_21  : i32 {
      %mul3A_34 = arith.constant 2 : i32
      %mul3A_35 = arith.muli %mul3A_34, %scan3A_33 : i32
      %add3A_36 = arith.constant 1 : i32
      %add3A_37 = arith.addi %mul3A_35, %add3A_36 : i32
      %mul3A_38 = arith.constant 80 : i32
      %mul3A_39 = arith.muli %add3A_37, %mul3A_38 : i32
      %dma_start3A_40 = tpu.memref_slice %arg7[%mul3A_39] : memref<10000xi32, #tpu.memory_space<vmem>> -> memref<80xi32, #tpu.memory_space<vmem>>
      %dma_start3A_41 = arith.constant 0 : i32
      %dma_start3A_42 = arith.constant 0 : i32
      %dma_start3A_43 = tpu.memref_slice %arg2[%dma_start3A_41, %dma_start3A_42] : memref<10000x128xf32, #tpu.memory_space<hbm>> -> memref<10000x128xf32, #tpu.memory_space<hbm>>
      tpu.enqueue_indirect_dma source(%dma_start3A_43 : memref<10000x128xf32, #tpu.memory_space<hbm>>) target(%arg10 : memref<80x128xf32, #tpu.memory_space<vmem>>) offsets(%dma_start3A_40 : memref<80xi32, #tpu.memory_space<vmem>>) semaphore(%arg13 : memref<!tpu.dma_semaphore, #tpu.memory_space<semaphore_mem>>)
      %mul3A_44 = arith.constant 80 : i32
      %mul3A_45 = arith.muli %mul3A_35, %mul3A_44 : i32
      %dma_wait3A_46 = tpu.memref_slice %arg7[%mul3A_45] : memref<10000xi32, #tpu.memory_space<vmem>> -> memref<80xi32, #tpu.memory_space<vmem>>
      %dma_wait3A_47 = arith.constant 0 : i32
      %dma_wait3A_48 = arith.constant 0 : i32
      %dma_wait3A_49 = tpu.memref_slice %arg2[%dma_wait3A_47, %dma_wait3A_48] : memref<10000x128xf32, #tpu.memory_space<hbm>> -> memref<10000x128xf32, #tpu.memory_space<hbm>>
      tpu.wait_indirect_dma semaphore(%arg12 : memref<!tpu.dma_semaphore, #tpu.memory_space<semaphore_mem>>) src(%dma_wait3A_49 : memref<10000x128xf32, #tpu.memory_space<hbm>>) dst(%arg9 : memref<80x128xf32, #tpu.memory_space<vmem>>)
      "tpu.region"() ({
        %run_scoped3A_64 = tpu.sem_alloc : memref<!tpu.dma_semaphore, #tpu.memory_space<semaphore_mem>>
        %dma_start3A_65 = arith.constant 0 : i32
        %dma_start3A_66 = tpu.memref_slice %arg8[%mul3A_35, %dma_start3A_65] : memref<125x80xi32, #tpu.memory_space<vmem>> -> memref<1x80xi32, #tpu.memory_space<vmem>>
        %dma_start3A_67 = tpu.memref_squeeze %dma_start3A_66 : memref<1x80xi32, #tpu.memory_space<vmem>> -> memref<80xi32, #tpu.memory_space<vmem>>
        %dma_start3A_68 = arith.constant 0 : i32
        %dma_start3A_69 = arith.constant 0 : i32
        %dma_start3A_70 = tpu.memref_slice %arg11[%dma_start3A_68, %dma_start3A_69] : memref<10240x128xf32, #tpu.memory_space<vmem_shared>> -> memref<10240x128xf32, #tpu.memory_space<vmem_shared>>
        tpu.enqueue_indirect_dma source(%arg9 : memref<80x128xf32, #tpu.memory_space<vmem>>) target(%dma_start3A_70 : memref<10240x128xf32, #tpu.memory_space<vmem_shared>>) offsets(%dma_start3A_67 : memref<80xi32, #tpu.memory_space<vmem>>) semaphore(%run_scoped3A_64 : memref<!tpu.dma_semaphore, #tpu.memory_space<semaphore_mem>>) {add = true}
        %dma_wait3A_71 = arith.constant 0 : i32
        %dma_wait3A_72 = tpu.memref_slice %arg8[%mul3A_35, %dma_wait3A_71] : memref<125x80xi32, #tpu.memory_space<vmem>> -> memref<1x80xi32, #tpu.memory_space<vmem>>
        %dma_wait3A_73 = tpu.memref_squeeze %dma_wait3A_72 : memref<1x80xi32, #tpu.memory_space<vmem>> -> memref<80xi32, #tpu.memory_space<vmem>>
        %dma_wait3A_74 = arith.constant 0 : i32
        %dma_wait3A_75 = arith.constant 0 : i32
        %dma_wait3A_76 = tpu.memref_slice %arg11[%dma_wait3A_74, %dma_wait3A_75] : memref<10240x128xf32, #tpu.memory_space<vmem_shared>> -> memref<10240x128xf32, #tpu.memory_space<vmem_shared>>
        tpu.wait_indirect_dma semaphore(%run_scoped3A_64 : memref<!tpu.dma_semaphore, #tpu.memory_space<semaphore_mem>>) src(%arg9 : memref<80x128xf32, #tpu.memory_space<vmem>>) dst(%dma_wait3A_76 : memref<10240x128xf32, #tpu.memory_space<vmem_shared>>)
        tpu.yield
      }) : () -> ()
      %add3A_50 = arith.constant 2 : i32
      %add3A_51 = arith.addi %mul3A_35, %add3A_50 : i32
      %mul3A_52 = arith.constant 80 : i32
      %mul3A_53 = arith.muli %add3A_51, %mul3A_52 : i32
      %dma_start3A_54 = tpu.memref_slice %arg7[%mul3A_53] : memref<10000xi32, #tpu.memory_space<vmem>> -> memref<80xi32, #tpu.memory_space<vmem>>
      %dma_start3A_55 = arith.constant 0 : i32
      %dma_start3A_56 = arith.constant 0 : i32
      %dma_start3A_57 = tpu.memref_slice %arg2[%dma_start3A_55, %dma_start3A_56] : memref<10000x128xf32, #tpu.memory_space<hbm>> -> memref<10000x128xf32, #tpu.memory_space<hbm>>
      tpu.enqueue_indirect_dma source(%dma_start3A_57 : memref<10000x128xf32, #tpu.memory_space<hbm>>) target(%arg9 : memref<80x128xf32, #tpu.memory_space<vmem>>) offsets(%dma_start3A_54 : memref<80xi32, #tpu.memory_space<vmem>>) semaphore(%arg12 : memref<!tpu.dma_semaphore, #tpu.memory_space<semaphore_mem>>)
      %mul3A_58 = arith.constant 80 : i32
      %mul3A_59 = arith.muli %add3A_37, %mul3A_58 : i32
      %dma_wait3A_60 = tpu.memref_slice %arg7[%mul3A_59] : memref<10000xi32, #tpu.memory_space<vmem>> -> memref<80xi32, #tpu.memory_space<vmem>>
      %dma_wait3A_61 = arith.constant 0 : i32
      %dma_wait3A_62 = arith.constant 0 : i32
      %dma_wait3A_63 = tpu.memref_slice %arg2[%dma_wait3A_61, %dma_wait3A_62] : memref<10000x128xf32, #tpu.memory_space<hbm>> -> memref<10000x128xf32, #tpu.memory_space<hbm>>
      tpu.wait_indirect_dma semaphore(%arg13 : memref<!tpu.dma_semaphore, #tpu.memory_space<semaphore_mem>>) src(%dma_wait3A_63 : memref<10000x128xf32, #tpu.memory_space<hbm>>) dst(%arg10 : memref<80x128xf32, #tpu.memory_space<vmem>>)
      "tpu.region"() ({
        %run_scoped3A_64 = tpu.sem_alloc : memref<!tpu.dma_semaphore, #tpu.memory_space<semaphore_mem>>
        %dma_start3A_65 = arith.constant 0 : i32
        %dma_start3A_66 = tpu.memref_slice %arg8[%add3A_37, %dma_start3A_65] : memref<125x80xi32, #tpu.memory_space<vmem>> -> memref<1x80xi32, #tpu.memory_space<vmem>>
        %dma_start3A_67 = tpu.memref_squeeze %dma_start3A_66 : memref<1x80xi32, #tpu.memory_space<vmem>> -> memref<80xi32, #tpu.memory_space<vmem>>
        %dma_start3A_68 = arith.constant 0 : i32
        %dma_start3A_69 = arith.constant 0 : i32
        %dma_start3A_70 = tpu.memref_slice %arg11[%dma_start3A_68, %dma_start3A_69] : memref<10240x128xf32, #tpu.memory_space<vmem_shared>> -> memref<10240x128xf32, #tpu.memory_space<vmem_shared>>
        tpu.enqueue_indirect_dma source(%arg10 : memref<80x128xf32, #tpu.memory_space<vmem>>) target(%dma_start3A_70 : memref<10240x128xf32, #tpu.memory_space<vmem_shared>>) offsets(%dma_start3A_67 : memref<80xi32, #tpu.memory_space<vmem>>) semaphore(%run_scoped3A_64 : memref<!tpu.dma_semaphore, #tpu.memory_space<semaphore_mem>>) {add = true}
        %dma_wait3A_71 = arith.constant 0 : i32
        %dma_wait3A_72 = tpu.memref_slice %arg8[%add3A_37, %dma_wait3A_71] : memref<125x80xi32, #tpu.memory_space<vmem>> -> memref<1x80xi32, #tpu.memory_space<vmem>>
        %dma_wait3A_73 = tpu.memref_squeeze %dma_wait3A_72 : memref<1x80xi32, #tpu.memory_space<vmem>> -> memref<80xi32, #tpu.memory_space<vmem>>
        %dma_wait3A_74 = arith.constant 0 : i32
        %dma_wait3A_75 = arith.constant 0 : i32
        %dma_wait3A_76 = tpu.memref_slice %arg11[%dma_wait3A_74, %dma_wait3A_75] : memref<10240x128xf32, #tpu.memory_space<vmem_shared>> -> memref<10240x128xf32, #tpu.memory_space<vmem_shared>>
        tpu.wait_indirect_dma semaphore(%run_scoped3A_64 : memref<!tpu.dma_semaphore, #tpu.memory_space<semaphore_mem>>) src(%arg10 : memref<80x128xf32, #tpu.memory_space<vmem>>) dst(%dma_wait3A_76 : memref<10240x128xf32, #tpu.memory_space<vmem_shared>>)
        tpu.yield
      }) : () -> ()
    }
    %scan3A_22 = arith.constant 62 : i32
    %dma_wait3A_23 = arith.constant 9920 : i32
    %dma_wait3A_24 = tpu.memref_slice %arg7[%dma_wait3A_23] : memref<10000xi32, #tpu.memory_space<vmem>> -> memref<80xi32, #tpu.memory_space<vmem>>
    %dma_wait3A_25 = arith.constant 0 : i32
    %dma_wait3A_26 = arith.constant 0 : i32
    %dma_wait3A_27 = tpu.memref_slice %arg2[%dma_wait3A_25, %dma_wait3A_26] : memref<10000x128xf32, #tpu.memory_space<hbm>> -> memref<10000x128xf32, #tpu.memory_space<hbm>>
    tpu.wait_indirect_dma semaphore(%arg12 : memref<!tpu.dma_semaphore, #tpu.memory_space<semaphore_mem>>) src(%dma_wait3A_27 : memref<10000x128xf32, #tpu.memory_space<hbm>>) dst(%arg9 : memref<80x128xf32, #tpu.memory_space<vmem>>)
    %run_scoped3A = arith.constant 124 : i32
    "tpu.region"() ({
      %run_scoped3A_33 = tpu.sem_alloc : memref<!tpu.dma_semaphore, #tpu.memory_space<semaphore_mem>>
      %dma_start3A_34 = arith.constant 0 : i32
      %dma_start3A_35 = tpu.memref_slice %arg8[%run_scoped3A, %dma_start3A_34] : memref<125x80xi32, #tpu.memory_space<vmem>> -> memref<1x80xi32, #tpu.memory_space<vmem>>
      %dma_start3A_36 = tpu.memref_squeeze %dma_start3A_35 : memref<1x80xi32, #tpu.memory_space<vmem>> -> memref<80xi32, #tpu.memory_space<vmem>>
      %dma_start3A_37 = arith.constant 0 : i32
      %dma_start3A_38 = arith.constant 0 : i32
      %dma_start3A_39 = tpu.memref_slice %arg11[%dma_start3A_37, %dma_start3A_38] : memref<10240x128xf32, #tpu.memory_space<vmem_shared>> -> memref<10240x128xf32, #tpu.memory_space<vmem_shared>>
      tpu.enqueue_indirect_dma source(%arg9 : memref<80x128xf32, #tpu.memory_space<vmem>>) target(%dma_start3A_39 : memref<10240x128xf32, #tpu.memory_space<vmem_shared>>) offsets(%dma_start3A_36 : memref<80xi32, #tpu.memory_space<vmem>>) semaphore(%run_scoped3A_33 : memref<!tpu.dma_semaphore, #tpu.memory_space<semaphore_mem>>) {add = true}
      %dma_wait3A_40 = arith.constant 0 : i32
      %dma_wait3A_41 = tpu.memref_slice %arg8[%run_scoped3A, %dma_wait3A_40] : memref<125x80xi32, #tpu.memory_space<vmem>> -> memref<1x80xi32, #tpu.memory_space<vmem>>
      %dma_wait3A_42 = tpu.memref_squeeze %dma_wait3A_41 : memref<1x80xi32, #tpu.memory_space<vmem>> -> memref<80xi32, #tpu.memory_space<vmem>>
      %dma_wait3A_43 = arith.constant 0 : i32
      %dma_wait3A_44 = arith.constant 0 : i32
      %dma_wait3A_45 = tpu.memref_slice %arg11[%dma_wait3A_43, %dma_wait3A_44] : memref<10240x128xf32, #tpu.memory_space<vmem_shared>> -> memref<10240x128xf32, #tpu.memory_space<vmem_shared>>
      tpu.wait_indirect_dma semaphore(%run_scoped3A_33 : memref<!tpu.dma_semaphore, #tpu.memory_space<semaphore_mem>>) src(%arg9 : memref<80x128xf32, #tpu.memory_space<vmem>>) dst(%dma_wait3A_45 : memref<10240x128xf32, #tpu.memory_space<vmem_shared>>)
      tpu.yield
    }) : () -> ()
    %barrier3A_28 = arith.constant 0 : index
    tpu.barrier barrier_id(%barrier3A_28)
    %mul3A_29 = arith.constant 640 : i32
    %mul3A_30 = arith.muli %arg1, %mul3A_29 : i32
    %mul3A_31 = arith.constant 640 : i32
    %mul3A_32 = arith.muli %arg1, %mul3A_31 : i32
    "tpu.region"() ({
      %run_scoped3A_33 = tpu.sem_alloc : memref<!tpu.dma_semaphore, #tpu.memory_space<semaphore_mem>>
      %dma_start3A_34 = arith.constant 0 : i32
      %dma_start3A_35 = tpu.memref_slice %arg6[%arg0, %mul3A_32, %dma_start3A_34] : memref<2x10240x128xf32, #tpu.memory_space<hbm>> -> memref<1x640x128xf32, #tpu.memory_space<hbm>>
      %dma_start3A_36 = tpu.memref_squeeze %dma_start3A_35 : memref<1x640x128xf32, #tpu.memory_space<hbm>> -> memref<640x128xf32, #tpu.memory_space<hbm>>
      %dma_start3A_37 = arith.constant 0 : i32
      %dma_start3A_38 = tpu.memref_slice %arg11[%mul3A_30, %dma_start3A_37] : memref<10240x128xf32, #tpu.memory_space<vmem_shared>> -> memref<640x128xf32, #tpu.memory_space<vmem_shared>>
      tpu.enqueue_dma source(%dma_start3A_38 : memref<640x128xf32, #tpu.memory_space<vmem_shared>>) target(%dma_start3A_36 : memref<640x128xf32, #tpu.memory_space<hbm>>) target_semaphore(%run_scoped3A_33 : memref<!tpu.dma_semaphore, #tpu.memory_space<semaphore_mem>>)
      %dma_wait3A_39 = arith.constant 0 : i32
      %dma_wait3A_40 = tpu.memref_slice %arg6[%arg0, %mul3A_32, %dma_wait3A_39] : memref<2x10240x128xf32, #tpu.memory_space<hbm>> -> memref<1x640x128xf32, #tpu.memory_space<hbm>>
      %dma_wait3A_41 = tpu.memref_squeeze %dma_wait3A_40 : memref<1x640x128xf32, #tpu.memory_space<hbm>> -> memref<640x128xf32, #tpu.memory_space<hbm>>
      %dma_wait3A_42 = arith.constant 0 : i32
      %dma_wait3A_43 = tpu.memref_slice %arg11[%mul3A_30, %dma_wait3A_42] : memref<10240x128xf32, #tpu.memory_space<vmem_shared>> -> memref<640x128xf32, #tpu.memory_space<vmem_shared>>
      tpu.wait_dma2 semaphore(%run_scoped3A_33 : memref<!tpu.dma_semaphore, #tpu.memory_space<semaphore_mem>>) src(%dma_wait3A_43 : memref<640x128xf32, #tpu.memory_space<vmem_shared>>) dst(%dma_wait3A_41 : memref<640x128xf32, #tpu.memory_space<hbm>>)
      tpu.yield
    }) : () -> ()
    return
  }
}

module attributes {stable_mosaic.version = 14 : i64} {
  func.func @_mm1_body(%arg0: i32, %arg1: memref<5000x128xf32, #tpu.memory_space<vmem>>, %arg2: memref<128x128xf32, #tpu.memory_space<vmem>>, %arg3: memref<5000x128xf32, #tpu.memory_space<vmem>>) attributes {dimension_semantics = [#tpu.dimension_semantics<arbitrary>], iteration_bounds = array<i64: 2>, scalar_prefetch = 0 : i64, scratch_operands = 0 : i64, tpu.core_type = #tpu.core_type<tc>, window_params = [{transform_indices = @transform_0, window_bounds = array<i64: 5000, 128>}, {pipeline_mode = #tpu.pipeline_mode<synchronous>, transform_indices = @transform_1, window_bounds = array<i64: 128, 128>}, {transform_indices = @transform_2, window_bounds = array<i64: 5000, 128>}]} {
    %get3A = arith.constant 0 : index
    %get3A_0 = arith.constant 0 : index
    %get3A_1 = vector.load %arg1[%get3A, %get3A_0] : memref<5000x128xf32, #tpu.memory_space<vmem>>, vector<5000x128xf32>
    %get3A_2 = arith.constant 0 : index
    %get3A_3 = arith.constant 0 : index
    %get3A_4 = vector.load %arg2[%get3A_2, %get3A_3] : memref<128x128xf32, #tpu.memory_space<vmem>>, vector<128x128xf32>
    %dot_general3A = arith.constant dense<0.000000e+00> : vector<5000x128xf32>
    %dot_general3A_5 = tpu.matmul %get3A_1, %get3A_4, %dot_general3A {dimension_numbers = #tpu.dot_dimension_numbers<[1], [0], [0], [1], [0, 0, 1, 1], [], []>, transpose_lhs_hint = false} : vector<5000x128xf32>, vector<128x128xf32>, vector<5000x128xf32> -> vector<5000x128xf32>
    %swap3A = arith.constant 0 : index
    %swap3A_6 = arith.constant 0 : index
    %swap3A_7 = vector.load %arg3[%swap3A, %swap3A_6] : memref<5000x128xf32, #tpu.memory_space<vmem>>, vector<5000x128xf32>
    tpu.vector_store %arg3[%swap3A, %swap3A_6], %dot_general3A_5 {strides = array<i32>} : memref<5000x128xf32, #tpu.memory_space<vmem>>, vector<5000x128xf32>,
    return
  }
  func.func @transform_0(%arg0: i32) -> (i32, i32) {
    %c0_i32 = arith.constant 0 : i32
    %c0_i32_0 = arith.constant 0 : i32
    return %arg0, %c0_i32 : i32, i32
  }
  func.func @transform_1(%arg0: i32) -> (i32, i32) {
    %c0_i32 = arith.constant 0 : i32
    %c0_i32_0 = arith.constant 0 : i32
    %c0_i32_1 = arith.constant 0 : i32
    return %c0_i32, %c0_i32_0 : i32, i32
  }
  func.func @transform_2(%arg0: i32) -> (i32, i32) {
    %c0_i32 = arith.constant 0 : i32
    %c0_i32_0 = arith.constant 0 : i32
    return %arg0, %c0_i32 : i32, i32
  }
}

module attributes {stable_mosaic.version = 14 : i64} {
  func.func @_comb_mm_body(%arg0: i32, %arg1: memref<2x5000x128xf32, #tpu.memory_space<vmem>>, %arg2: memref<1x128xf32, #tpu.memory_space<vmem>>, %arg3: memref<128x128xf32, #tpu.memory_space<vmem>>, %arg4: memref<5000x128xf32, #tpu.memory_space<vmem>>) attributes {dimension_semantics = [#tpu.dimension_semantics<arbitrary>], iteration_bounds = array<i64: 2>, scalar_prefetch = 0 : i64, scratch_operands = 0 : i64, tpu.core_type = #tpu.core_type<tc>, window_params = [{transform_indices = @transform_0, window_bounds = array<i64: 2, 5000, 128>}, {pipeline_mode = #tpu.pipeline_mode<synchronous>, transform_indices = @transform_1, window_bounds = array<i64: 1, 128>}, {pipeline_mode = #tpu.pipeline_mode<synchronous>, transform_indices = @transform_2, window_bounds = array<i64: 128, 128>}, {transform_indices = @transform_3, window_bounds = array<i64: 5000, 128>}]} {
    %get3A = arith.constant 0 : index
    %get3A_0 = arith.constant 0 : index
    %get3A_1 = arith.constant 0 : index
    %get3A_2 = vector.load %arg1[%get3A, %get3A_0, %get3A_1] : memref<2x5000x128xf32, #tpu.memory_space<vmem>>, vector<1x5000x128xf32>
    %get3A_3 = vector.shape_cast %get3A_2 : vector<1x5000x128xf32> to vector<5000x128xf32>
    %get3A_4 = arith.constant 1 : index
    %get3A_5 = arith.constant 0 : index
    %get3A_6 = arith.constant 0 : index
    %get3A_7 = vector.load %arg1[%get3A_4, %get3A_5, %get3A_6] : memref<2x5000x128xf32, #tpu.memory_space<vmem>>, vector<1x5000x128xf32>
    %get3A_8 = vector.shape_cast %get3A_7 : vector<1x5000x128xf32> to vector<5000x128xf32>
    %add3A = arith.addf %get3A_3, %get3A_8 : vector<5000x128xf32>
    %get3A_9 = arith.constant 0 : index
    %get3A_10 = arith.constant 0 : index
    %get3A_11 = vector.load %arg2[%get3A_9, %get3A_10] : memref<1x128xf32, #tpu.memory_space<vmem>>, vector<1x128xf32>
    %add3A_12 = vector.broadcast %get3A_11 : vector<1x128xf32> to vector<5000x128xf32>
    %add3A_13 = arith.addf %add3A, %add3A_12 : vector<5000x128xf32>
    %max3A = arith.constant 0.000000e+00 : f32
    %max3A_14 = vector.broadcast %max3A : f32 to vector<5000x128xf32>
    %max3A_15 = arith.maximumf %add3A_13, %max3A_14 : vector<5000x128xf32>
    %get3A_16 = arith.constant 0 : index
    %get3A_17 = arith.constant 0 : index
    %get3A_18 = vector.load %arg3[%get3A_16, %get3A_17] : memref<128x128xf32, #tpu.memory_space<vmem>>, vector<128x128xf32>
    %dot_general3A = arith.constant dense<0.000000e+00> : vector<5000x128xf32>
    %dot_general3A_19 = tpu.matmul %max3A_15, %get3A_18, %dot_general3A {dimension_numbers = #tpu.dot_dimension_numbers<[1], [0], [0], [1], [0, 0, 1, 1], [], []>, transpose_lhs_hint = false} : vector<5000x128xf32>, vector<128x128xf32>, vector<5000x128xf32> -> vector<5000x128xf32>
    %swap3A = arith.constant 0 : index
    %swap3A_20 = arith.constant 0 : index
    %swap3A_21 = vector.load %arg4[%swap3A, %swap3A_20] : memref<5000x128xf32, #tpu.memory_space<vmem>>, vector<5000x128xf32>
    tpu.vector_store %arg4[%swap3A, %swap3A_20], %dot_general3A_19 {strides = array<i32>} : memref<5000x128xf32, #tpu.memory_space<vmem>>, vector<5000x128xf32>,
    return
  }
  func.func @transform_0(%arg0: i32) -> (i32, i32, i32) {
    %c0_i32 = arith.constant 0 : i32
    %c0_i32_0 = arith.constant 0 : i32
    %c0_i32_1 = arith.constant 0 : i32
    return %c0_i32, %arg0, %c0_i32_0 : i32, i32, i32
  }
  func.func @transform_1(%arg0: i32) -> (i32, i32) {
    %c0_i32 = arith.constant 0 : i32
    %c0_i32_0 = arith.constant 0 : i32
    %c0_i32_1 = arith.constant 0 : i32
    return %c0_i32, %c0_i32_0 : i32, i32
  }
  func.func @transform_2(%arg0: i32) -> (i32, i32) {
    %c0_i32 = arith.constant 0 : i32
    %c0_i32_0 = arith.constant 0 : i32
    %c0_i32_1 = arith.constant 0 : i32
    return %c0_i32, %c0_i32_0 : i32, i32
  }
  func.func @transform_3(%arg0: i32) -> (i32, i32) {
    %c0_i32 = arith.constant 0 : i32
    %c0_i32_0 = arith.constant 0 : i32
    return %arg0, %c0_i32 : i32, i32
  }
}

module attributes {stable_mosaic.version = 14 : i64} {
  func.func @_final_body(%arg0: i32, %arg1: memref<2x5000x128xf32, #tpu.memory_space<vmem>>, %arg2: memref<1x128xf32, #tpu.memory_space<vmem>>, %arg3: memref<128x40xf32, #tpu.memory_space<vmem>>, %arg4: memref<1x40xf32, #tpu.memory_space<vmem>>, %arg5: memref<5000x40xf32, #tpu.memory_space<vmem>>) attributes {dimension_semantics = [#tpu.dimension_semantics<arbitrary>], iteration_bounds = array<i64: 2>, scalar_prefetch = 0 : i64, scratch_operands = 0 : i64, tpu.core_type = #tpu.core_type<tc>, window_params = [{transform_indices = @transform_0, window_bounds = array<i64: 2, 5000, 128>}, {pipeline_mode = #tpu.pipeline_mode<synchronous>, transform_indices = @transform_1, window_bounds = array<i64: 1, 128>}, {pipeline_mode = #tpu.pipeline_mode<synchronous>, transform_indices = @transform_2, window_bounds = array<i64: 128, 40>}, {pipeline_mode = #tpu.pipeline_mode<synchronous>, transform_indices = @transform_3, window_bounds = array<i64: 1, 40>}, {transform_indices = @transform_4, window_bounds = array<i64: 5000, 40>}]} {
    %get3A = arith.constant 0 : index
    %get3A_0 = arith.constant 0 : index
    %get3A_1 = arith.constant 0 : index
    %get3A_2 = vector.load %arg1[%get3A, %get3A_0, %get3A_1] : memref<2x5000x128xf32, #tpu.memory_space<vmem>>, vector<1x5000x128xf32>
    %get3A_3 = vector.shape_cast %get3A_2 : vector<1x5000x128xf32> to vector<5000x128xf32>
    %get3A_4 = arith.constant 1 : index
    %get3A_5 = arith.constant 0 : index
    %get3A_6 = arith.constant 0 : index
    %get3A_7 = vector.load %arg1[%get3A_4, %get3A_5, %get3A_6] : memref<2x5000x128xf32, #tpu.memory_space<vmem>>, vector<1x5000x128xf32>
    %get3A_8 = vector.shape_cast %get3A_7 : vector<1x5000x128xf32> to vector<5000x128xf32>
    %add3A = arith.addf %get3A_3, %get3A_8 : vector<5000x128xf32>
    %get3A_9 = arith.constant 0 : index
    %get3A_10 = arith.constant 0 : index
    %get3A_11 = vector.load %arg2[%get3A_9, %get3A_10] : memref<1x128xf32, #tpu.memory_space<vmem>>, vector<1x128xf32>
    %add3A_12 = vector.broadcast %get3A_11 : vector<1x128xf32> to vector<5000x128xf32>
    %add3A_13 = arith.addf %add3A, %add3A_12 : vector<5000x128xf32>
    %max3A = arith.constant 0.000000e+00 : f32
    %max3A_14 = vector.broadcast %max3A : f32 to vector<5000x128xf32>
    %max3A_15 = arith.maximumf %add3A_13, %max3A_14 : vector<5000x128xf32>
    %get3A_16 = arith.constant 0 : index
    %get3A_17 = arith.constant 0 : index
    %get3A_18 = vector.load %arg3[%get3A_16, %get3A_17] : memref<128x40xf32, #tpu.memory_space<vmem>>, vector<128x40xf32>
    %dot_general3A = arith.constant dense<0.000000e+00> : vector<5000x40xf32>
    %dot_general3A_19 = tpu.matmul %max3A_15, %get3A_18, %dot_general3A {dimension_numbers = #tpu.dot_dimension_numbers<[1], [0], [0], [1], [0, 0, 1, 1], [], []>, transpose_lhs_hint = false} : vector<5000x128xf32>, vector<128x40xf32>, vector<5000x40xf32> -> vector<5000x40xf32>
    %get3A_20 = arith.constant 0 : index
    %get3A_21 = arith.constant 0 : index
    %get3A_22 = vector.load %arg4[%get3A_20, %get3A_21] : memref<1x40xf32, #tpu.memory_space<vmem>>, vector<1x40xf32>
    %add3A_23 = vector.broadcast %get3A_22 : vector<1x40xf32> to vector<5000x40xf32>
    %add3A_24 = arith.addf %dot_general3A_19, %add3A_23 : vector<5000x40xf32>
    %reduce_max3A = arith.constant dense<0xFF800000> : vector<5000xf32>
    %reduce_max3A_25 = vector.multi_reduction <maximumf>, %add3A_24, %reduce_max3A [1] : vector<5000x40xf32> to vector<5000xf32>
    %broadcast_in_dim3A = vector.shape_cast %reduce_max3A_25 : vector<5000xf32> to vector<5000x1xf32>
    %sub3A = vector.broadcast %broadcast_in_dim3A : vector<5000x1xf32> to vector<5000x40xf32>
    %sub3A_26 = arith.subf %add3A_24, %sub3A : vector<5000x40xf32>
    %exp3A = math.exp %sub3A_26 : vector<5000x40xf32>
    %reduce_sum3A = arith.constant dense<0.000000e+00> : vector<5000xf32>
    %reduce_sum3A_27 = vector.multi_reduction <add>, %exp3A, %reduce_sum3A [1] : vector<5000x40xf32> to vector<5000xf32>
    %broadcast_in_dim3A_28 = vector.shape_cast %reduce_sum3A_27 : vector<5000xf32> to vector<5000x1xf32>
    %log3A = math.log %broadcast_in_dim3A_28 : vector<5000x1xf32>
    %sub3A_29 = vector.broadcast %log3A : vector<5000x1xf32> to vector<5000x40xf32>
    %sub3A_30 = arith.subf %sub3A_26, %sub3A_29 : vector<5000x40xf32>
    %swap3A = arith.constant 0 : index
    %swap3A_31 = arith.constant 0 : index
    %swap3A_32 = vector.load %arg5[%swap3A, %swap3A_31] : memref<5000x40xf32, #tpu.memory_space<vmem>>, vector<5000x40xf32>
    tpu.vector_store %arg5[%swap3A, %swap3A_31], %sub3A_30 {strides = array<i32>} : memref<5000x40xf32, #tpu.memory_space<vmem>>, vector<5000x40xf32>,
    return
  }
  func.func @transform_0(%arg0: i32) -> (i32, i32, i32) {
    %c0_i32 = arith.constant 0 : i32
    %c0_i32_0 = arith.constant 0 : i32
    %c0_i32_1 = arith.constant 0 : i32
    return %c0_i32, %arg0, %c0_i32_0 : i32, i32, i32
  }
  func.func @transform_1(%arg0: i32) -> (i32, i32) {
    %c0_i32 = arith.constant 0 : i32
    %c0_i32_0 = arith.constant 0 : i32
    %c0_i32_1 = arith.constant 0 : i32
    return %c0_i32, %c0_i32_0 : i32, i32
  }
  func.func @transform_2(%arg0: i32) -> (i32, i32) {
    %c0_i32 = arith.constant 0 : i32
    %c0_i32_0 = arith.constant 0 : i32
    %c0_i32_1 = arith.constant 0 : i32
    return %c0_i32, %c0_i32_0 : i32, i32
  }
  func.func @transform_3(%arg0: i32) -> (i32, i32) {
    %c0_i32 = arith.constant 0 : i32
    %c0_i32_0 = arith.constant 0 : i32
    %c0_i32_1 = arith.constant 0 : i32
    return %c0_i32, %c0_i32_0 : i32, i32
  }
  func.func @transform_4(%arg0: i32) -> (i32, i32) {
    %c0_i32 = arith.constant 0 : i32
    %c0_i32_0 = arith.constant 0 : i32
    return %arg0, %c0_i32 : i32, i32
  }
}

</mosaic_0001>

<sc_bundles>
// kernel: kernel.10.cloned.1.call-start
scs
__scs_entry_jumppad:
0x0: {  	(pc) =	sbr.rel $0x88, $3  }
0x1: {  	(tag) =	ssettag $0x0;
	lr =	simm.s32 $0x1  }
0x2: {  	[smem:$0x3F99] =	sst lr;
	_ =	strace $0xD0000000  }
0x3: {  	_ = 	snop  }
0x4: {  	_ = 	snop  }
0x5: {  	_ = 	snop  }
0x6: {  	_ = 	snop  }
0x7: {  	_ = 	snop  }
__scs_overlays_trampoline_lowered:
0x8: {  	[smem:$0x3FA8] =	sst s0  }
0x9: {  	[smem:$0x3FA9] =	sst s1  }
0xa: {  	[smem:$0x3FAA] =	sst s2  }
0xb: {  	[smem:$0x3FAB] =	sst s3  }
0xc: {  	[smem:$0x3FAC] =	sst s4  }
0xd: {  	[smem:$0x3FAD] =	sst s5  }
0xe: {  	[smem:$0x3FAE] =	sst s6  }
0xf: {  	[smem:$0x3FAF] =	sst s7  }
0x10: {  	[smem:$0x3FB0] =	sst s8  }
0x11: {  	[smem:$0x3FB1] =	sst s9;
	s0 =	simm.s32 @!p0 $0x0  }
0x12: {  	s1 =	sld [smem:$0x3F97];
	s0 =	simm.s32 @p0 $0x1  }
0x13: {  	[smem:$0x3FB2] =	sst s0;
	s0 =	simm.s32 @!p1 $0x0  }
0x14: {  	s2 =	sld [smem:$0x3F96];
	s0 =	simm.s32 @p1 $0x1  }
0x15: {  	[smem:$0x3FB3] =	sst s0;
	s0 =	simm.s32 @!p2 $0x0  }
0x16: {  	s3 =	sld [smem:$0x3FDB];
	s0 =	simm.s32 @p2 $0x1  }
0x17: {  	s4 =	simm.s32 $0x1BF5;
	[smem:$0x3FB5] =	sst s0  }
0x18: {  	s0 =	sld [smem:$0x3F98];
	_ =	swait.ge [sflag:s4], $0x0  }
0x19: {  	s7 =	sld [smem:$0x3F99]  }
0x1a: {  	s8 =	sadd.s32 $0xFFFFE003, lr  }
0x1b: {  	s9 =	sadd.s32 $0xFFFFFEF7, lr;
	s5 =	simm.s32 $0xFFFFFFFF;
	p2 =	slt.u32 s8, $0xFFFFF086  }
0x1c: {  	p1 =	slt.u32 s9, $0xF7A;
	s5 =	simm.s32 @!p2 $0x0  }
0x1d: {  	s5 =	simm.s32 @p1 $0x1;
	p0 =	seq.s32 s7, s2  }
0x1e: {  	s7 =	smul.u32 @!p0 $0xF7A, s2;
	p2 =	seq.s32 @!p0 s5, $0x0  }
0x1f: {  	s9 =	smul.u32 $0xF7A, s1;
	s8 =	simm.s32 @!p0 $0x1BF5;
	p2 =	por !p2, p0  }
0x20: {  	[sflag:s8] =	ssyncset.s32 @!p0 $0xFFFFF086;
	s6 =	sadd.s32 @!p0 s3, s7;
	s7 =	simm.s32 @!p0 $0x108  }
0x21: {  	s3 =	sadd.s32 s3, s9;
	s6 =	sadd.s32 @!p0 $0x88, s6;
	s7 =	simm.s32 @p2 $0x1082  }
0x22: {  	[simem:s7], [sflag:s8] =	dma.local @!p0 [hbm:s6], $0xF7A  }
0x23: {  	s9 =	sor.u32 $0xD0000000, s2;
	s6 =	simm.s32 $0x108;
	_ =	swait.ge @!p0 [sflag:s8], $0x0  }
0x24: {  	s3 =	sadd.s32 $0x88, s3;
	s6 =	simm.s32 @!p1 $0x1082;
	[sflag:s4] =	ssyncset.s32 $0xFFFFF086  }
0x25: {  	[simem:s6], [sflag:s4] =	dma.local [hbm:s3], $0xF7A  }
0x26: {  	[smem:$0x3F99] =	sst s1;
	(tag) =	ssettag s2;
	_ =	strace s9  }
0x27: {  	s1 =	sld [smem:$0x3FA9]  }
0x28: {  	s2 =	sld [smem:$0x3FAA]  }
0x29: {  	s4 =	sld [smem:$0x3FAC]  }
0x2a: {  	p0 =	seq.s32 s5, $0x0;
	s5 =	sld [smem:$0x3FAD]  }
0x2b: {  	s6 =	sld [smem:$0x3FAE]  }
0x2c: {  	s7 =	sld [smem:$0x3FAF]  }
0x2d: {  	s3 =	simm.s32 $0x108;
	s8 =	sld [smem:$0x3FB0]  }
0x2e: {  	s3 =	simm.s32 @!p0 $0x1082;
	s9 =	sld [smem:$0x3FB1]  }
0x2f: {  	lr =	sadd.s32 s0, s3;
	s0 =	sld [smem:$0x3FA8]  }
0x30: {  	s3 =	sld [smem:$0x3FAB]  }
0x31: {  	[smem:$0x3FB4] =	sst s10  }
0x32: {  	s10 =	sld [smem:$0x3FB2];
	_ =	sdelay $0x3  }
0x33: {  	p0 =	seq.s32 s10, $0x1;
	s10 =	sld [smem:$0x3FB4];
	_ =	sdelay $0x3  }
0x34: {  	[smem:$0x3FB4] =	sst s10  }
0x35: {  	s10 =	sld [smem:$0x3FB3];
	_ =	sdelay $0x3  }
0x36: {  	p1 =	seq.s32 s10, $0x1;
	s10 =	sld [smem:$0x3FB4];
	_ =	sdelay $0x3  }
0x37: {  	[smem:$0x3FB4] =	sst s10  }
0x38: {  	s10 =	sld [smem:$0x3FB5]  }
0x39: {  	_ = 	snop;
	(pc) =	sbr.ind lr, $3  }
0x3a: {  	_ = 	snop  }
0x3b: {  	_ = 	snop  }
0x3c: {  	p2 =	seq.s32 s10, $0x1;
	s10 =	sld [smem:$0x3FB4]  }
0x3d: {  	_ =	shalt  }
0x3e: {  	_ =	shalt  }
0x3f: {  	_ =	shalt  }
0x40: {  	_ =	shalt  }
0x41: {  	_ =	shalt  }
0x42: {  	_ =	shalt  }
0x43: {  	_ =	shalt  }
0x44: {  	_ =	shalt  }
0x45: {  	_ =	shalt  }
0x46: {  	_ =	shalt  }
0x47: {  	_ =	shalt  }
0x48: {  	_ =	shalt  }
0x49: {  	_ =	shalt  }
0x4a: {  	_ =	shalt  }
0x4b: {  	_ =	shalt  }
0x4c: {  	_ =	shalt  }
0x4d: {  	_ =	shalt  }
0x4e: {  	_ =	shalt  }
0x4f: {  	_ =	shalt  }
0x50: {  	_ =	shalt  }
0x51: {  	_ =	shalt  }
0x52: {  	_ =	shalt  }
0x53: {  	_ =	shalt  }
0x54: {  	_ =	shalt  }
0x55: {  	_ =	shalt  }
0x56: {  	_ =	shalt  }
0x57: {  	_ =	shalt  }
0x58: {  	_ =	shalt  }
0x59: {  	_ =	shalt  }
0x5a: {  	_ =	shalt  }
0x5b: {  	_ =	shalt  }
0x5c: {  	_ =	shalt  }
0x5d: {  	_ =	shalt  }
0x5e: {  	_ =	shalt  }
0x5f: {  	_ =	shalt  }
0x60: {  	_ =	shalt  }
0x61: {  	_ =	shalt  }
0x62: {  	_ =	shalt  }
0x63: {  	_ =	shalt  }
0x64: {  	_ =	shalt  }
0x65: {  	_ =	shalt  }
0x66: {  	_ =	shalt  }
0x67: {  	_ =	shalt  }
0x68: {  	_ =	shalt  }
0x69: {  	_ =	shalt  }
0x6a: {  	_ =	shalt  }
0x6b: {  	_ =	shalt  }
0x6c: {  	_ =	shalt  }
0x6d: {  	_ =	shalt  }
0x6e: {  	_ =	shalt  }
0x6f: {  	_ =	shalt  }
0x70: {  	_ =	shalt  }
0x71: {  	_ =	shalt  }
0x72: {  	_ =	shalt  }
0x73: {  	_ =	shalt  }
0x74: {  	_ =	shalt  }
0x75: {  	_ =	shalt  }
0x76: {  	_ =	shalt  }
0x77: {  	_ =	shalt  }
0x78: {  	_ =	shalt  }
0x79: {  	_ =	shalt  }
0x7a: {  	_ =	shalt  }
0x7b: {  	_ =	shalt  }
0x7c: {  	_ =	shalt  }
0x7d: {  	_ =	shalt  }
0x7e: {  	_ =	shalt  }
0x7f: {  	_ =	shalt  }
0x80: {  	_ =	shalt  }
0x81: {  	_ =	shalt  }
0x82: {  	_ =	shalt  }
0x83: {  	_ =	shalt  }
0x84: {  	_ =	shalt  }
0x85: {  	_ =	shalt  }
0x86: {  	_ =	shalt  }
0x87: {  	_ =	shalt  }
.Lfunc_end0:
.L_simem_size_0:
called_computation.1_lowered:
.L_overlay_start_0:
0x88: {  	s2 =	sld [smem:$0x3FD9]  }
0x89: {  	s3 =	sld [smem:$0x3FFE];
	_ =	sdelay $0x1  }
0x8a: {  	s1 =	srdreg.scid  }
0x8b: {  	s0 =	sand.u32 $0x1, s1  }
0x8c: {  	s17 =	sshll.u32 s0, $0xA;
	s2 =	sadd.s32 s3, s2  }
0x8d: {  	s2 =	sadd.s32 s2, s17  }
0x8e: {  	[smem:$0x3FC0] =	sst s2  }
0x8f: {  	_ = 	snop  }
0x90: {  	s2 =	sld [smem:$0x3FD0];
	(tm) =	ssettm $0x1  }
0x91: {  	s18 =	sld [smem:$0x3FFB];
	_ =	sdelay $0x3  }
0x92: {  	_ =	strace s18  }
0x93: {  	s3 =	sld [smem:$0x3FFC];
	_ =	sdelay $0x3  }
0x94: {  	_ =	strace s3  }
0x95: {  	s3 =	sld [smem:$0x3FFD];
	_ =	sdelay $0x3  }
0x96: {  	_ =	strace s3  }
0x97: {  	_ =	strace $0x8FFFFFFF  }
0x98: {  	s19 =	sld [smem:$0x3FDB];
	_ =	sdelay $0x1  }
0x99: {  	s4 =	simm.s32 $_scs_section_size  }
0x9a: {  	s5 =	simm.s32 $_size__tile_overlayer_lowered;
	s6 =	simm.s32 $_tile_overlayer_lowered  }
0x9b: {  	s22 =	simm.s32 $0x1BFF;
	s21 =	sshll.u32 s6, $0x1;
	s3 =	sadd.s32 s4, s19  }
0x9c: {  	s7 =	simm.s32 $0x0;
	s20 =	sshll.u32 s5, $0x1;
	s5 =	sadd.s32 s21, s3  }
0x9d: {  	[timem:s7], [sflag:s22] =	dma.local [hbm:s5], s20  }
0x9e: {  	_ =	swait.ge [sflag:s22], s20  }
0x9f: {  	s4 =	ssub.s32 $0x0, s20;
	[sflag:s22] =	ssyncset.done $0x0  }
0xa0: {  	[sflag:s22] =	ssyncadd.s32 s4;
	_ =	sdelay $0x1  }
0xa1: {  	s23 =	simm.s32 $0x1B8B  }
0xa2: {  	_ =	swait.ge [sflag:s23], $0x1  }
0xa3: {  	[sflag:s23] =	ssyncset.done $0x0  }
0xa4: {  	s25 =	simm.s32 $0x1B8E;
	s24 =	sld [smem:$0x3FFE];
	[sflag:s23] =	ssyncadd.s32 $0xFFFFFFFF  }
0xa5: {  	s26 =	simm.s32 $execute0_lowered;
	[smem:$0x3FD2] =	sst s25  }
0xa6: {  	s5 =	sshll.u32 s26, $0x1;
	_ =	strace $0x80000049;
	[dreg:$0x1] =	wrdreg $0xFFFFFFFF  }
0xa7: {  	s28 =	simm.s32 $_size_execute0_lowered;
	s3 =	sadd.s32 s3, s5;
	[dreg:$0x0] =	wrdreg $0x0  }
0xa8: {  	s5 =	sshll.u32 s28, $0x1;
	[dreg:$0x2] =	wrdreg s3  }
0xa9: {  	[dreg:$0x3] =	wrdreg s5  }
0xaa: {  	[dreg:$0x4] =	wrdreg $0xC0  }
0xab: {  	_ =	task [dreg:s7], $0x5FFFF  }
0xac: {  	[dreg:$0x1] =	wrdreg $0xFFFFFFFF  }
0xad: {  	[dreg:$0x0] =	wrdreg $0x60  }
0xae: {  	[dreg:$0x2] =	wrdreg s24  }
0xaf: {  	[dreg:$0x3] =	wrdreg s2  }
0xb0: {  	[dreg:$0x4] =	wrdreg $0xB7800  }
0xb1: {  	[dreg:$0x5] =	wrdreg $0x9  }
0xb2: {  	_ =	task.clear_ibuf [dreg:s7], $0x6FFFF;
	_ =	strace $0x90000049  }
0xb3: {  	s29 =	simm.s32 $0x9;
	_ =	strace $0x8000004B  }
0xb4: {  	_ =	swait.ge [sflag:s29], $0x1  }
0xb5: {  	[sflag:s29] =	ssyncadd.s32 $0xFFFFFFFF  }
0xb6: {  	_ =	strace $0x9000004B  }
0xb7: {  	_ =	sfence  }
0xb8: {  	s30 =	sld [smem:$0x0];
	_ =	sdelay $0x2  }
0xb9: {  	s31 =	sshll.u32 s1, $0xD;
	s1 =	sshrl.u32 s1, $0x2  }
0xba: {  	s3 =	sand.u32 $0x4000, s31;
	s1 =	sadd.s32 s1, s30  }
0xbb: {  	s0 =	sor.u32 s3, s0;
	s1 =	sshll.u32 s1, $0x11  }
0xbc: {  	s0 =	sor.u32 s1, s0  }
0xbd: {  	s0 =	sadd.s32 $0x8F2B, s0  }
0xbe: {  	[sflag:s0] =	ssyncadd.remote.s32 $0x1  }
0xbf: {  	_ =	sfence.sel $0xFFFF  }
0xc0: {  	[dreg:$0x0] =	wrdreg $0xFFFFFFFF;
	(pc) =	sbr.abs _section_cstart, $3  }
0xc1: {  	[dreg:$0x1] =	wrdreg $0xFFFFFFFF  }
0xc2: {  	_ =	task.clear_ibuf [dreg:s7], $0x2FFFF;
	_ =	strace $0x9FFFFFFF  }
0xc3: {  	(tm) =	ssettm $0x7FFFFFFF  }
tec
execute0_lowered:
.L_overlay_start_1:
0x0: {  	(tag) =	ssettag $0x1  }
0x1: {  	s6 =	rddreg [dreg:$0x0]  }
0x2: {  	s7 =	rddreg [dreg:$0x1]  }
0x3: {  	s1 =	rddreg [dreg:$0x2]  }
0x4: {  	s2 =	srdreg.scid;
	s0 =	rddreg [dreg:$0x3];
	s3 =	simm.s32 $0x0  }
0x5: {  	s14 =	simm.s32 $0x2780;
	s15 =	simm.s32 $0x3;
	s16 =	simm.s32 $0x50  }
0x6: {  	s17 =	simm.s32 $0x6780;
	s18 =	simm.s32 $0x8F80;
	s19 =	simm.s32 $0x6580  }
0x7: {  	s21 =	simm.s32 $0x0;
	s5 =	sand.u32 $0x1, s2;
	s2 =	stileid.u32  }
0x8: {  	[smem:$0x7FF] =	sst s3;
	s4 =	sshll.u32 s5, $0x4;
	s8 =	smul.u32 $0x140000, s5  }
0x9: {  	s10 =	smul.u32 $0x14000, s2;
	_ =	strace $0x8000004A;
	s29 =	ssub.s32 $0x2, s5  }
0xa: {  	s12 =	smul.u32 $0x50000, s2;
	s5 =	sadd.s32 $0x38800, s6;
	s20 =	sshll.u32 s2, $0x6  }
0xb: {  	s9 =	sor.u32 s2, s4;
	s4 =	sadd.s32 $0x11600, s6;
	s30 =	sshrl.u32 s29, $0x1  }
0xc: {  	s11 =	sshll.u32 s9, $0xB;
	s8 =	sadd.s32 s10, s8;
	s31 =	sshrl.u32 s12, $0x2  }
0xd: {  	s9 =	smul.u32 $0x4E2, s9;
	s10 =	ssub.s32 s29, s30;
	s11 =	sadd.s32 s11, s6  }
0xe: {  	s8 =	sshrl.u32 s8, $0x3;
	s12 =	sadd.s32 s31, s1;
	s10 =	smax.u32 s10, $0x1  }
0xf: {  	s13 =	sadd.s32 s8, s6;
	s6 =	sor.u32 $0x1C01, s20;
	s7 =	sadd.s32 s7, s9  }
0x10: {  	s8 =	sadd.s32 $0x1600, s11;
	s11 =	sshrl.u32 s12, $0x3;
	s12 =	simm.s32 $0x1  }
0x11: {  	s20 =	sor.u32 $0x1C03, s20;
	s9 =	sadd.s32 $0x3B000, s13;
	s13 =	simm.s32 $0x2  }
.LBB2_1:
0x12: {  	[spmem:s11], [sflag:s6] =	dma.local [hbm:s5], $0x2800  }
0x13: {  	[tilespmem:s3], [sflag:$0x2] =	stream.linear.gather [hbm4b:s7+s3], $0x2710, $0x38;
	[tilespmem:$0x1F780] =	vst v63  }
0x14: {  	_ =	swait.ge [sflag:s12], $0x2800  }
0x15: {  	[sflag:s12] =	ssyncset.done $0x0  }
0x16: {  	[sflag:s12] =	ssyncadd.s32 $0xFFFFD800  }
0x17: {  	_ =	swait.ge [sflag:s13], $0x2710  }
0x18: {  	[sflag:s13] =	ssyncset.done $0x0  }
0x19: {  	[sflag:s13] =	ssyncadd.s32 $0xFFFFD8F0  }
0x1a: {  	[tilespmem:s14], [sflag:$0x3] =	stream.linear.gather [hbm4b:s8+s3], $0x3E80, $0x38;
	[tilespmem:$0x1F780] =	vst v63  }
0x1b: {  	_ =	swait.ge [sflag:s15], $0x3E80  }
0x1c: {  	[sflag:s15] =	ssyncset.done $0x0  }
0x1d: {  	[sflag:s15] =	ssyncadd.s32 $0xFFFFC180  }
0x1e: {  	[bflag:$0x0] =	sbarrier.arrive $0xFFFF  }
0x1f: {  	[tilespmem:s17], [sflag:$0x1] =	stream.indirect.gather [hbm4b:s4+s16], $0x80, s3, s16, $0xb8;
	[tilespmem:$0x1F780] =	vst v63  }
0x20: {  	s22 =	simm.s32 $0x50  }
0x21: {  	[tilespmem:s18], [sflag:$0x2] =	stream.indirect.gather [hbm4b:s4+s16], $0x80, s22, s16, $0xb8;
	[tilespmem:$0x1F780] =	vst v63  }
0x22: {  	_ =	swait.ge [sflag:s12], $0x2800  }
0x23: {  	[sflag:s12] =	ssyncset.done $0x0  }
0x24: {  	s29 =	simm.s32 $0x2780;
	[sflag:s12] =	ssyncadd.s32 $0xFFFFD800  }
0x25: {  	[spmem:s1] =	stream.indirect.scatter.add.f32 [tilespmem:s17], [sflag:$0x3], $0x80, s29, s16, $0xb8;
	[tilespmem:$0x1F780] =	vst v63  }
0x26: {  	_ =	swait.ge [sflag:s15], $0x2800  }
0x27: {  	[sflag:s15] =	ssyncset.done $0x0  }
0x28: {  	s30 =	simm.s32 $0xA0;
	[sflag:s15] =	ssyncadd.s32 $0xFFFFD800  }
0x29: {  	[tilespmem:s17], [sflag:$0x1] =	stream.indirect.gather [hbm4b:s4+s16], $0x80, s30, s16, $0xb8;
	[tilespmem:$0x1F780] =	vst v63  }
0x2a: {  	_ =	swait.ge [sflag:s13], $0x2800  }
0x2b: {  	[sflag:s13] =	ssyncset.done $0x0  }
0x2c: {  	s31 =	simm.s32 $0x2800;
	[sflag:s13] =	ssyncadd.s32 $0xFFFFD800  }
0x2d: {  	[spmem:s1] =	stream.indirect.scatter.add.f32 [tilespmem:s18], [sflag:$0x3], $0x80, s31, s16, $0xb8;
	[tilespmem:$0x1F780] =	vst v63  }
0x2e: {  	s23 =	simm.s32 $0x400;
	_ =	swait.ge [sflag:s15], $0x2800  }
0x2f: {  	s24 =	simm.s32 $0x800;
	s22 =	simm.s32 $0x140;
	[sflag:s15] =	ssyncset.done $0x0  }
.LBB2_2:
0x30: {  	p0 =	sne.s32 s24, $0xF400;
	s25 =	sadd.s32 $0xFFFFFFB0, s22;
	[sflag:s15] =	ssyncadd.s32 $0xFFFFD800  }
0x31: {  	[tilespmem:s18], [sflag:$0x2] =	stream.indirect.gather [hbm4b:s4+s16], $0x80, s25, s16, $0xb8;
	[tilespmem:$0x1F780] =	vst v63  }
0x32: {  	s25 =	smov.u32 s24;
	s24 =	sadd.s32 $0x400, s24;
	_ =	swait.ge [sflag:s12], $0x2800  }
0x33: {  	s26 =	sshra.s32 s23, $0x2;
	s23 =	smov.u32 s25;
	[sflag:s12] =	ssyncset.done $0x0  }
0x34: {  	s25 =	sadd.s32 $0x2780, s26;
	[sflag:s12] =	ssyncadd.s32 $0xFFFFD800  }
0x35: {  	[spmem:s1] =	stream.indirect.scatter.add.f32 [tilespmem:s17], [sflag:$0x3], $0x80, s25, s16, $0xb8;
	[tilespmem:$0x1F780] =	vst v63  }
0x36: {  	_ =	swait.ge [sflag:s15], $0x2800  }
0x37: {  	[sflag:s15] =	ssyncset.done $0x0  }
0x38: {  	[sflag:s15] =	ssyncadd.s32 $0xFFFFD800  }
0x39: {  	[tilespmem:s17], [sflag:$0x1] =	stream.indirect.gather [hbm4b:s4+s16], $0x80, s22, s16, $0xb8;
	[tilespmem:$0x1F780] =	vst v63  }
0x3a: {  	_ =	swait.ge [sflag:s13], $0x2800  }
.Ltmp0:
0x3b: {  	[sflag:s13] =	ssyncset.done $0x0;
	(pc) =	sbr.rel @p0 .LBB2_2-.Ltmp0, $4  }
0x3c: {  	s25 =	sadd.s32 $0x2800, s26;
	[sflag:s13] =	ssyncadd.s32 $0xFFFFD800  }
0x3d: {  	[spmem:s1] =	stream.indirect.scatter.add.f32 [tilespmem:s18], [sflag:$0x3], $0x80, s25, s16, $0xb8;
	[tilespmem:$0x1F780] =	vst v63  }
0x3e: {  	_ =	swait.ge [sflag:s15], $0x2800  }
0x3f: {  	s22 =	sadd.s32 $0xA0, s22;
	[sflag:s15] =	ssyncset.done $0x0  }
0x40: {  	s24 =	sadd.s32 $0xFFFFFFB0, s22;
	[sflag:s15] =	ssyncadd.s32 $0xFFFFD800  }
0x41: {  	[tilespmem:s18], [sflag:$0x2] =	stream.indirect.gather [hbm4b:s4+s16], $0x80, s24, s16, $0xb8;
	[tilespmem:$0x1F780] =	vst v63  }
0x42: {  	_ =	swait.ge [sflag:s12], $0x2800  }
0x43: {  	s23 =	sshra.s32 s23, $0x2;
	[sflag:s12] =	ssyncset.done $0x0  }
0x44: {  	s30 =	sadd.s32 $0x2780, s23;
	[sflag:s12] =	ssyncadd.s32 $0xFFFFD800  }
0x45: {  	[spmem:s1] =	stream.indirect.scatter.add.f32 [tilespmem:s17], [sflag:$0x3], $0x80, s30, s16, $0xb8;
	[tilespmem:$0x1F780] =	vst v63  }
0x46: {  	_ =	swait.ge [sflag:s15], $0x2800  }
0x47: {  	[sflag:s15] =	ssyncset.done $0x0  }
0x48: {  	[sflag:s15] =	ssyncadd.s32 $0xFFFFD800  }
0x49: {  	[tilespmem:s17], [sflag:$0x1] =	stream.indirect.gather [hbm4b:s4+s16], $0x80, s22, s16, $0xb8;
	[tilespmem:$0x1F780] =	vst v63  }
0x4a: {  	_ =	swait.ge [sflag:s13], $0x2800  }
0x4b: {  	[sflag:s13] =	ssyncset.done $0x0  }
0x4c: {  	s31 =	sadd.s32 $0x2800, s23;
	[sflag:s13] =	ssyncadd.s32 $0xFFFFD800  }
0x4d: {  	[spmem:s1] =	stream.indirect.scatter.add.f32 [tilespmem:s18], [sflag:$0x3], $0x80, s31, s16, $0xb8;
	[tilespmem:$0x1F780] =	vst v63  }
0x4e: {  	_ =	swait.ge [sflag:s15], $0x2800  }
0x4f: {  	[sflag:s15] =	ssyncset.done $0x0  }
0x50: {  	[sflag:s15] =	ssyncadd.s32 $0xFFFFD800  }
0x51: {  	_ =	swait.ge [sflag:s12], $0x2800  }
0x52: {  	[sflag:s12] =	ssyncset.done $0x0  }
0x53: {  	[sflag:s12] =	ssyncadd.s32 $0xFFFFD800  }
0x54: {  	[spmem:s1] =	stream.indirect.scatter.add.f32 [tilespmem:s17], [sflag:$0x3], $0x80, s19, s16, $0xb8;
	[tilespmem:$0x1F780] =	vst v63  }
0x55: {  	_ =	swait.ge [sflag:s15], $0x2800  }
0x56: {  	s21 =	sadd.s32 $0x1, s21;
	[sflag:s15] =	ssyncset.done $0x0  }
0x57: {  	p0 =	sne.s32 s21, s10;
	[sflag:s15] =	ssyncadd.s32 $0xFFFFD800  }
.Ltmp1:
0x58: {  	[bflag:$0x0] =	sbarrier.arrive $0xFFFF;
	(pc) =	sbr.rel @p0 .LBB2_1-.Ltmp1, $4  }
0x59: {  	[hbm:s9], [sflag:s20] =	dma.local [spmem:s11], $0x2800  }
0x5a: {  	_ =	swait.ge [sflag:s15], $0x2800  }
0x5b: {  	[sflag:s15] =	ssyncset.done $0x0  }
0x5c: {  	[sflag:s15] =	ssyncadd.s32 $0xFFFFD800  }
0x5d: {  	_ =	sfence.sel $0x180000  }
0x5e: {  	[bflag:$0x0] =	sbarrier.arrive $0xFFFF  }
0x5f: {  	p0 =	sne.s32 s2, $0x0;
	_ =	strace $0x9000004A  }
0x60: {  	s0 =	sadd.s32 @!p0 $0x100000, s0;
	[bflag:$0x2] =	sbarrier.arrive $0xFFFF  }
0x61: {  	[sflag:s0] =	ssyncadd.tile.s32 @!p0 $0x1;
	_ =	shalt  }
.Lfunc_end2:
_tile_overlayer_lowered:
.L_overlay_start_2:
0x62: {  	(tag) =	ssettag $0x2  }
0x63: {  	s0 =	rddreg [dreg:$0x0];
	s2 =	stileid.u32  }
0x64: {  	s1 =	rddreg [dreg:$0x1];
	p0 =	sne.s32 s2, $0x0  }
0x65: {  	s3 =	rddreg [dreg:$0x2];
	[bflag:$0x3] =	sbarrier.arrive $0xFFFF;
	s2 =	simm.s32 @!p0 $0x1C03  }
0x66: {  	[timem:s3], [sflag:s2] =	dma.local @!p0 [hbm:s0], s1  }
0x67: {  	s0 =	simm.s32 @!p0 $0x3  }
0x68: {  	_ =	swait.ge @!p0 [sflag:s0], s1  }
0x69: {  	s1 =	ssub.s32 @!p0 $0x0, s1;
	[sflag:s0] =	ssyncset.done @!p0 $0x0  }
0x6a: {  	[sflag:s0] =	ssyncadd.s32 @!p0 s1  }
0x6b: {  	[bflag:$0x3] =	sbarrier.arrive $0xFFFF  }
0x6c: {  	_ =	shalt  }

// kernel: kernel.7.cloned.1.call-start
scs
__scs_entry_jumppad:
0x0: {  	(pc) =	sbr.rel $0x88, $3  }
0x1: {  	(tag) =	ssettag $0x0;
	lr =	simm.s32 $0x1  }
0x2: {  	[smem:$0x3F99] =	sst lr;
	_ =	strace $0xD0000000  }
0x3: {  	_ = 	snop  }
0x4: {  	_ = 	snop  }
0x5: {  	_ = 	snop  }
0x6: {  	_ = 	snop  }
0x7: {  	_ = 	snop  }
__scs_overlays_trampoline_lowered:
0x8: {  	[smem:$0x3FA8] =	sst s0  }
0x9: {  	[smem:$0x3FA9] =	sst s1  }
0xa: {  	[smem:$0x3FAA] =	sst s2  }
0xb: {  	[smem:$0x3FAB] =	sst s3  }
0xc: {  	[smem:$0x3FAC] =	sst s4  }
0xd: {  	[smem:$0x3FAD] =	sst s5  }
0xe: {  	[smem:$0x3FAE] =	sst s6  }
0xf: {  	[smem:$0x3FAF] =	sst s7  }
0x10: {  	[smem:$0x3FB0] =	sst s8  }
0x11: {  	[smem:$0x3FB1] =	sst s9;
	s0 =	simm.s32 @!p0 $0x0  }
0x12: {  	s1 =	sld [smem:$0x3F97];
	s0 =	simm.s32 @p0 $0x1  }
0x13: {  	[smem:$0x3FB2] =	sst s0;
	s0 =	simm.s32 @!p1 $0x0  }
0x14: {  	s2 =	sld [smem:$0x3F96];
	s0 =	simm.s32 @p1 $0x1  }
0x15: {  	[smem:$0x3FB3] =	sst s0;
	s0 =	simm.s32 @!p2 $0x0  }
0x16: {  	s3 =	sld [smem:$0x3FDB];
	s0 =	simm.s32 @p2 $0x1  }
0x17: {  	s4 =	simm.s32 $0x1BF5;
	[smem:$0x3FB5] =	sst s0  }
0x18: {  	s0 =	sld [smem:$0x3F98];
	_ =	swait.ge [sflag:s4], $0x0  }
0x19: {  	s7 =	sld [smem:$0x3F99]  }
0x1a: {  	s8 =	sadd.s32 $0xFFFFE003, lr  }
0x1b: {  	s9 =	sadd.s32 $0xFFFFFEF7, lr;
	s5 =	simm.s32 $0xFFFFFFFF;
	p2 =	slt.u32 s8, $0xFFFFF086  }
0x1c: {  	p1 =	slt.u32 s9, $0xF7A;
	s5 =	simm.s32 @!p2 $0x0  }
0x1d: {  	s5 =	simm.s32 @p1 $0x1;
	p0 =	seq.s32 s7, s2  }
0x1e: {  	s7 =	smul.u32 @!p0 $0xF7A, s2;
	p2 =	seq.s32 @!p0 s5, $0x0  }
0x1f: {  	s9 =	smul.u32 $0xF7A, s1;
	s8 =	simm.s32 @!p0 $0x1BF5;
	p2 =	por !p2, p0  }
0x20: {  	[sflag:s8] =	ssyncset.s32 @!p0 $0xFFFFF086;
	s6 =	sadd.s32 @!p0 s3, s7;
	s7 =	simm.s32 @!p0 $0x108  }
0x21: {  	s3 =	sadd.s32 s3, s9;
	s6 =	sadd.s32 @!p0 $0x88, s6;
	s7 =	simm.s32 @p2 $0x1082  }
0x22: {  	[simem:s7], [sflag:s8] =	dma.local @!p0 [hbm:s6], $0xF7A  }
0x23: {  	s9 =	sor.u32 $0xD0000000, s2;
	s6 =	simm.s32 $0x108;
	_ =	swait.ge @!p0 [sflag:s8], $0x0  }
0x24: {  	s3 =	sadd.s32 $0x88, s3;
	s6 =	simm.s32 @!p1 $0x1082;
	[sflag:s4] =	ssyncset.s32 $0xFFFFF086  }
0x25: {  	[simem:s6], [sflag:s4] =	dma.local [hbm:s3], $0xF7A  }
0x26: {  	[smem:$0x3F99] =	sst s1;
	(tag) =	ssettag s2;
	_ =	strace s9  }
0x27: {  	s1 =	sld [smem:$0x3FA9]  }
0x28: {  	s2 =	sld [smem:$0x3FAA]  }
0x29: {  	s4 =	sld [smem:$0x3FAC]  }
0x2a: {  	p0 =	seq.s32 s5, $0x0;
	s5 =	sld [smem:$0x3FAD]  }
0x2b: {  	s6 =	sld [smem:$0x3FAE]  }
0x2c: {  	s7 =	sld [smem:$0x3FAF]  }
0x2d: {  	s3 =	simm.s32 $0x108;
	s8 =	sld [smem:$0x3FB0]  }
0x2e: {  	s3 =	simm.s32 @!p0 $0x1082;
	s9 =	sld [smem:$0x3FB1]  }
0x2f: {  	lr =	sadd.s32 s0, s3;
	s0 =	sld [smem:$0x3FA8]  }
0x30: {  	s3 =	sld [smem:$0x3FAB]  }
0x31: {  	[smem:$0x3FB4] =	sst s10  }
0x32: {  	s10 =	sld [smem:$0x3FB2];
	_ =	sdelay $0x3  }
0x33: {  	p0 =	seq.s32 s10, $0x1;
	s10 =	sld [smem:$0x3FB4];
	_ =	sdelay $0x3  }
0x34: {  	[smem:$0x3FB4] =	sst s10  }
0x35: {  	s10 =	sld [smem:$0x3FB3];
	_ =	sdelay $0x3  }
0x36: {  	p1 =	seq.s32 s10, $0x1;
	s10 =	sld [smem:$0x3FB4];
	_ =	sdelay $0x3  }
0x37: {  	[smem:$0x3FB4] =	sst s10  }
0x38: {  	s10 =	sld [smem:$0x3FB5]  }
0x39: {  	_ = 	snop;
	(pc) =	sbr.ind lr, $3  }
0x3a: {  	_ = 	snop  }
0x3b: {  	_ = 	snop  }
0x3c: {  	p2 =	seq.s32 s10, $0x1;
	s10 =	sld [smem:$0x3FB4]  }
0x3d: {  	_ =	shalt  }
0x3e: {  	_ =	shalt  }
0x3f: {  	_ =	shalt  }
0x40: {  	_ =	shalt  }
0x41: {  	_ =	shalt  }
0x42: {  	_ =	shalt  }
0x43: {  	_ =	shalt  }
0x44: {  	_ =	shalt  }
0x45: {  	_ =	shalt  }
0x46: {  	_ =	shalt  }
0x47: {  	_ =	shalt  }
0x48: {  	_ =	shalt  }
0x49: {  	_ =	shalt  }
0x4a: {  	_ =	shalt  }
0x4b: {  	_ =	shalt  }
0x4c: {  	_ =	shalt  }
0x4d: {  	_ =	shalt  }
0x4e: {  	_ =	shalt  }
0x4f: {  	_ =	shalt  }
0x50: {  	_ =	shalt  }
0x51: {  	_ =	shalt  }
0x52: {  	_ =	shalt  }
0x53: {  	_ =	shalt  }
0x54: {  	_ =	shalt  }
0x55: {  	_ =	shalt  }
0x56: {  	_ =	shalt  }
0x57: {  	_ =	shalt  }
0x58: {  	_ =	shalt  }
0x59: {  	_ =	shalt  }
0x5a: {  	_ =	shalt  }
0x5b: {  	_ =	shalt  }
0x5c: {  	_ =	shalt  }
0x5d: {  	_ =	shalt  }
0x5e: {  	_ =	shalt  }
0x5f: {  	_ =	shalt  }
0x60: {  	_ =	shalt  }
0x61: {  	_ =	shalt  }
0x62: {  	_ =	shalt  }
0x63: {  	_ =	shalt  }
0x64: {  	_ =	shalt  }
0x65: {  	_ =	shalt  }
0x66: {  	_ =	shalt  }
0x67: {  	_ =	shalt  }
0x68: {  	_ =	shalt  }
0x69: {  	_ =	shalt  }
0x6a: {  	_ =	shalt  }
0x6b: {  	_ =	shalt  }
0x6c: {  	_ =	shalt  }
0x6d: {  	_ =	shalt  }
0x6e: {  	_ =	shalt  }
0x6f: {  	_ =	shalt  }
0x70: {  	_ =	shalt  }
0x71: {  	_ =	shalt  }
0x72: {  	_ =	shalt  }
0x73: {  	_ =	shalt  }
0x74: {  	_ =	shalt  }
0x75: {  	_ =	shalt  }
0x76: {  	_ =	shalt  }
0x77: {  	_ =	shalt  }
0x78: {  	_ =	shalt  }
0x79: {  	_ =	shalt  }
0x7a: {  	_ =	shalt  }
0x7b: {  	_ =	shalt  }
0x7c: {  	_ =	shalt  }
0x7d: {  	_ =	shalt  }
0x7e: {  	_ =	shalt  }
0x7f: {  	_ =	shalt  }
0x80: {  	_ =	shalt  }
0x81: {  	_ =	shalt  }
0x82: {  	_ =	shalt  }
0x83: {  	_ =	shalt  }
0x84: {  	_ =	shalt  }
0x85: {  	_ =	shalt  }
0x86: {  	_ =	shalt  }
0x87: {  	_ =	shalt  }
.Lfunc_end0:
.L_simem_size_0:
called_computation_lowered:
.L_overlay_start_0:
0x88: {  	s2 =	sld [smem:$0x3FD9]  }
0x89: {  	s3 =	sld [smem:$0x3FFE];
	_ =	sdelay $0x1  }
0x8a: {  	s1 =	srdreg.scid  }
0x8b: {  	s0 =	sand.u32 $0x1, s1  }
0x8c: {  	s17 =	sshll.u32 s0, $0xA;
	s2 =	sadd.s32 s3, s2  }
0x8d: {  	s2 =	sadd.s32 s2, s17  }
0x8e: {  	[smem:$0x3FC0] =	sst s2  }
0x8f: {  	_ = 	snop  }
0x90: {  	s2 =	sld [smem:$0x3FD0];
	(tm) =	ssettm $0x1  }
0x91: {  	s18 =	sld [smem:$0x3FFB];
	_ =	sdelay $0x3  }
0x92: {  	_ =	strace s18  }
0x93: {  	s3 =	sld [smem:$0x3FFC];
	_ =	sdelay $0x3  }
0x94: {  	_ =	strace s3  }
0x95: {  	s3 =	sld [smem:$0x3FFD];
	_ =	sdelay $0x3  }
0x96: {  	_ =	strace s3  }
0x97: {  	_ =	strace $0x8FFFFFFF  }
0x98: {  	s19 =	sld [smem:$0x3FDB];
	_ =	sdelay $0x1  }
0x99: {  	s4 =	simm.s32 $_scs_section_size  }
0x9a: {  	s5 =	simm.s32 $_size__tile_overlayer_lowered;
	s6 =	simm.s32 $_tile_overlayer_lowered  }
0x9b: {  	s22 =	simm.s32 $0x1BFF;
	s21 =	sshll.u32 s6, $0x1;
	s3 =	sadd.s32 s4, s19  }
0x9c: {  	s7 =	simm.s32 $0x0;
	s20 =	sshll.u32 s5, $0x1;
	s5 =	sadd.s32 s21, s3  }
0x9d: {  	[timem:s7], [sflag:s22] =	dma.local [hbm:s5], s20  }
0x9e: {  	_ =	swait.ge [sflag:s22], s20  }
0x9f: {  	s4 =	ssub.s32 $0x0, s20;
	[sflag:s22] =	ssyncset.done $0x0  }
0xa0: {  	[sflag:s22] =	ssyncadd.s32 s4;
	_ =	sdelay $0x1  }
0xa1: {  	s23 =	simm.s32 $0x1B8B  }
0xa2: {  	_ =	swait.ge [sflag:s23], $0x1  }
0xa3: {  	[sflag:s23] =	ssyncset.done $0x0  }
0xa4: {  	s25 =	simm.s32 $0x1B8E;
	s24 =	sld [smem:$0x3FFE];
	[sflag:s23] =	ssyncadd.s32 $0xFFFFFFFF  }
0xa5: {  	s26 =	simm.s32 $execute0_lowered;
	[smem:$0x3FD2] =	sst s25  }
0xa6: {  	s5 =	sshll.u32 s26, $0x1;
	_ =	strace $0x80000046;
	[dreg:$0x1] =	wrdreg $0xFFFFFFFF  }
0xa7: {  	s28 =	simm.s32 $_size_execute0_lowered;
	s3 =	sadd.s32 s3, s5;
	[dreg:$0x0] =	wrdreg $0x0  }
0xa8: {  	s5 =	sshll.u32 s28, $0x1;
	[dreg:$0x2] =	wrdreg s3  }
0xa9: {  	[dreg:$0x3] =	wrdreg s5  }
0xaa: {  	[dreg:$0x4] =	wrdreg $0xC0  }
0xab: {  	_ =	task [dreg:s7], $0x5FFFF  }
0xac: {  	[dreg:$0x1] =	wrdreg $0xFFFFFFFF  }
0xad: {  	[dreg:$0x0] =	wrdreg $0x60  }
0xae: {  	[dreg:$0x2] =	wrdreg s24  }
0xaf: {  	[dreg:$0x3] =	wrdreg s2  }
0xb0: {  	[dreg:$0x4] =	wrdreg $0xB7800  }
0xb1: {  	[dreg:$0x5] =	wrdreg $0x9  }
0xb2: {  	_ =	task.clear_ibuf [dreg:s7], $0x6FFFF;
	_ =	strace $0x90000046  }
0xb3: {  	s29 =	simm.s32 $0x9;
	_ =	strace $0x80000048  }
0xb4: {  	_ =	swait.ge [sflag:s29], $0x1  }
0xb5: {  	[sflag:s29] =	ssyncadd.s32 $0xFFFFFFFF  }
0xb6: {  	_ =	strace $0x90000048  }
0xb7: {  	_ =	sfence  }
0xb8: {  	s30 =	sld [smem:$0x0];
	_ =	sdelay $0x2  }
0xb9: {  	s31 =	sshll.u32 s1, $0xD;
	s1 =	sshrl.u32 s1, $0x2  }
0xba: {  	s3 =	sand.u32 $0x4000, s31;
	s1 =	sadd.s32 s1, s30  }
0xbb: {  	s0 =	sor.u32 s3, s0;
	s1 =	sshll.u32 s1, $0x11  }
0xbc: {  	s0 =	sor.u32 s1, s0  }
0xbd: {  	s0 =	sadd.s32 $0x8F2B, s0  }
0xbe: {  	[sflag:s0] =	ssyncadd.remote.s32 $0x1  }
0xbf: {  	_ =	sfence.sel $0xFFFF  }
0xc0: {  	[dreg:$0x0] =	wrdreg $0xFFFFFFFF;
	(pc) =	sbr.abs _section_cstart, $3  }
0xc1: {  	[dreg:$0x1] =	wrdreg $0xFFFFFFFF  }
0xc2: {  	_ =	task.clear_ibuf [dreg:s7], $0x2FFFF;
	_ =	strace $0x9FFFFFFF  }
0xc3: {  	(tm) =	ssettm $0x7FFFFFFF  }
tec
execute0_lowered:
.L_overlay_start_1:
0x0: {  	(tag) =	ssettag $0x1  }
0x1: {  	s6 =	rddreg [dreg:$0x0]  }
0x2: {  	s7 =	rddreg [dreg:$0x1]  }
0x3: {  	s1 =	rddreg [dreg:$0x2]  }
0x4: {  	s2 =	srdreg.scid;
	s0 =	rddreg [dreg:$0x3];
	s3 =	simm.s32 $0x0  }
0x5: {  	s14 =	simm.s32 $0x2780;
	s15 =	simm.s32 $0x3;
	s16 =	simm.s32 $0x50  }
0x6: {  	s17 =	simm.s32 $0x6780;
	s18 =	simm.s32 $0x8F80;
	s19 =	simm.s32 $0x6580  }
0x7: {  	s21 =	simm.s32 $0x0;
	s5 =	sand.u32 $0x1, s2;
	s2 =	stileid.u32  }
0x8: {  	[smem:$0x7FF] =	sst s3;
	s4 =	sshll.u32 s5, $0x4;
	s8 =	smul.u32 $0x140000, s5  }
0x9: {  	s10 =	smul.u32 $0x14000, s2;
	_ =	strace $0x80000047;
	s29 =	ssub.s32 $0x2, s5  }
0xa: {  	s12 =	smul.u32 $0x50000, s2;
	s5 =	sadd.s32 $0x38800, s6;
	s20 =	sshll.u32 s2, $0x6  }
0xb: {  	s9 =	sor.u32 s2, s4;
	s4 =	sadd.s32 $0x11600, s6;
	s30 =	sshrl.u32 s29, $0x1  }
0xc: {  	s11 =	sshll.u32 s9, $0xB;
	s8 =	sadd.s32 s10, s8;
	s31 =	sshrl.u32 s12, $0x2  }
0xd: {  	s9 =	smul.u32 $0x4E2, s9;
	s10 =	ssub.s32 s29, s30;
	s11 =	sadd.s32 s11, s6  }
0xe: {  	s8 =	sshrl.u32 s8, $0x3;
	s12 =	sadd.s32 s31, s1;
	s10 =	smax.u32 s10, $0x1  }
0xf: {  	s13 =	sadd.s32 s8, s6;
	s6 =	sor.u32 $0x1C01, s20;
	s7 =	sadd.s32 s7, s9  }
0x10: {  	s8 =	sadd.s32 $0x1600, s11;
	s11 =	sshrl.u32 s12, $0x3;
	s12 =	simm.s32 $0x1  }
0x11: {  	s20 =	sor.u32 $0x1C03, s20;
	s9 =	sadd.s32 $0x3B000, s13;
	s13 =	simm.s32 $0x2  }
.LBB2_1:
0x12: {  	[spmem:s11], [sflag:s6] =	dma.local [hbm:s5], $0x2800  }
0x13: {  	[tilespmem:s3], [sflag:$0x2] =	stream.linear.gather [hbm4b:s7+s3], $0x2710, $0x38;
	[tilespmem:$0x1F780] =	vst v63  }
0x14: {  	_ =	swait.ge [sflag:s12], $0x2800  }
0x15: {  	[sflag:s12] =	ssyncset.done $0x0  }
0x16: {  	[sflag:s12] =	ssyncadd.s32 $0xFFFFD800  }
0x17: {  	_ =	swait.ge [sflag:s13], $0x2710  }
0x18: {  	[sflag:s13] =	ssyncset.done $0x0  }
0x19: {  	[sflag:s13] =	ssyncadd.s32 $0xFFFFD8F0  }
0x1a: {  	[tilespmem:s14], [sflag:$0x3] =	stream.linear.gather [hbm4b:s8+s3], $0x3E80, $0x38;
	[tilespmem:$0x1F780] =	vst v63  }
0x1b: {  	_ =	swait.ge [sflag:s15], $0x3E80  }
0x1c: {  	[sflag:s15] =	ssyncset.done $0x0  }
0x1d: {  	[sflag:s15] =	ssyncadd.s32 $0xFFFFC180  }
0x1e: {  	[bflag:$0x0] =	sbarrier.arrive $0xFFFF  }
0x1f: {  	[tilespmem:s17], [sflag:$0x1] =	stream.indirect.gather [hbm4b:s4+s16], $0x80, s3, s16, $0xb8;
	[tilespmem:$0x1F780] =	vst v63  }
0x20: {  	s22 =	simm.s32 $0x50  }
0x21: {  	[tilespmem:s18], [sflag:$0x2] =	stream.indirect.gather [hbm4b:s4+s16], $0x80, s22, s16, $0xb8;
	[tilespmem:$0x1F780] =	vst v63  }
0x22: {  	_ =	swait.ge [sflag:s12], $0x2800  }
0x23: {  	[sflag:s12] =	ssyncset.done $0x0  }
0x24: {  	s29 =	simm.s32 $0x2780;
	[sflag:s12] =	ssyncadd.s32 $0xFFFFD800  }
0x25: {  	[spmem:s1] =	stream.indirect.scatter.add.f32 [tilespmem:s17], [sflag:$0x3], $0x80, s29, s16, $0xb8;
	[tilespmem:$0x1F780] =	vst v63  }
0x26: {  	_ =	swait.ge [sflag:s15], $0x2800  }
0x27: {  	[sflag:s15] =	ssyncset.done $0x0  }
0x28: {  	s30 =	simm.s32 $0xA0;
	[sflag:s15] =	ssyncadd.s32 $0xFFFFD800  }
0x29: {  	[tilespmem:s17], [sflag:$0x1] =	stream.indirect.gather [hbm4b:s4+s16], $0x80, s30, s16, $0xb8;
	[tilespmem:$0x1F780] =	vst v63  }
0x2a: {  	_ =	swait.ge [sflag:s13], $0x2800  }
0x2b: {  	[sflag:s13] =	ssyncset.done $0x0  }
0x2c: {  	s31 =	simm.s32 $0x2800;
	[sflag:s13] =	ssyncadd.s32 $0xFFFFD800  }
0x2d: {  	[spmem:s1] =	stream.indirect.scatter.add.f32 [tilespmem:s18], [sflag:$0x3], $0x80, s31, s16, $0xb8;
	[tilespmem:$0x1F780] =	vst v63  }
0x2e: {  	s23 =	simm.s32 $0x400;
	_ =	swait.ge [sflag:s15], $0x2800  }
0x2f: {  	s24 =	simm.s32 $0x800;
	s22 =	simm.s32 $0x140;
	[sflag:s15] =	ssyncset.done $0x0  }
.LBB2_2:
0x30: {  	p0 =	sne.s32 s24, $0xF400;
	s25 =	sadd.s32 $0xFFFFFFB0, s22;
	[sflag:s15] =	ssyncadd.s32 $0xFFFFD800  }
0x31: {  	[tilespmem:s18], [sflag:$0x2] =	stream.indirect.gather [hbm4b:s4+s16], $0x80, s25, s16, $0xb8;
	[tilespmem:$0x1F780] =	vst v63  }
0x32: {  	s25 =	smov.u32 s24;
	s24 =	sadd.s32 $0x400, s24;
	_ =	swait.ge [sflag:s12], $0x2800  }
0x33: {  	s26 =	sshra.s32 s23, $0x2;
	s23 =	smov.u32 s25;
	[sflag:s12] =	ssyncset.done $0x0  }
0x34: {  	s25 =	sadd.s32 $0x2780, s26;
	[sflag:s12] =	ssyncadd.s32 $0xFFFFD800  }
0x35: {  	[spmem:s1] =	stream.indirect.scatter.add.f32 [tilespmem:s17], [sflag:$0x3], $0x80, s25, s16, $0xb8;
	[tilespmem:$0x1F780] =	vst v63  }
0x36: {  	_ =	swait.ge [sflag:s15], $0x2800  }
0x37: {  	[sflag:s15] =	ssyncset.done $0x0  }
0x38: {  	[sflag:s15] =	ssyncadd.s32 $0xFFFFD800  }
0x39: {  	[tilespmem:s17], [sflag:$0x1] =	stream.indirect.gather [hbm4b:s4+s16], $0x80, s22, s16, $0xb8;
	[tilespmem:$0x1F780] =	vst v63  }
0x3a: {  	_ =	swait.ge [sflag:s13], $0x2800  }
.Ltmp0:
0x3b: {  	[sflag:s13] =	ssyncset.done $0x0;
	(pc) =	sbr.rel @p0 .LBB2_2-.Ltmp0, $4  }
0x3c: {  	s25 =	sadd.s32 $0x2800, s26;
	[sflag:s13] =	ssyncadd.s32 $0xFFFFD800  }
0x3d: {  	[spmem:s1] =	stream.indirect.scatter.add.f32 [tilespmem:s18], [sflag:$0x3], $0x80, s25, s16, $0xb8;
	[tilespmem:$0x1F780] =	vst v63  }
0x3e: {  	_ =	swait.ge [sflag:s15], $0x2800  }
0x3f: {  	s22 =	sadd.s32 $0xA0, s22;
	[sflag:s15] =	ssyncset.done $0x0  }
0x40: {  	s24 =	sadd.s32 $0xFFFFFFB0, s22;
	[sflag:s15] =	ssyncadd.s32 $0xFFFFD800  }
0x41: {  	[tilespmem:s18], [sflag:$0x2] =	stream.indirect.gather [hbm4b:s4+s16], $0x80, s24, s16, $0xb8;
	[tilespmem:$0x1F780] =	vst v63  }
0x42: {  	_ =	swait.ge [sflag:s12], $0x2800  }
0x43: {  	s23 =	sshra.s32 s23, $0x2;
	[sflag:s12] =	ssyncset.done $0x0  }
0x44: {  	s30 =	sadd.s32 $0x2780, s23;
	[sflag:s12] =	ssyncadd.s32 $0xFFFFD800  }
0x45: {  	[spmem:s1] =	stream.indirect.scatter.add.f32 [tilespmem:s17], [sflag:$0x3], $0x80, s30, s16, $0xb8;
	[tilespmem:$0x1F780] =	vst v63  }
0x46: {  	_ =	swait.ge [sflag:s15], $0x2800  }
0x47: {  	[sflag:s15] =	ssyncset.done $0x0  }
0x48: {  	[sflag:s15] =	ssyncadd.s32 $0xFFFFD800  }
0x49: {  	[tilespmem:s17], [sflag:$0x1] =	stream.indirect.gather [hbm4b:s4+s16], $0x80, s22, s16, $0xb8;
	[tilespmem:$0x1F780] =	vst v63  }
0x4a: {  	_ =	swait.ge [sflag:s13], $0x2800  }
0x4b: {  	[sflag:s13] =	ssyncset.done $0x0  }
0x4c: {  	s31 =	sadd.s32 $0x2800, s23;
	[sflag:s13] =	ssyncadd.s32 $0xFFFFD800  }
0x4d: {  	[spmem:s1] =	stream.indirect.scatter.add.f32 [tilespmem:s18], [sflag:$0x3], $0x80, s31, s16, $0xb8;
	[tilespmem:$0x1F780] =	vst v63  }
0x4e: {  	_ =	swait.ge [sflag:s15], $0x2800  }
0x4f: {  	[sflag:s15] =	ssyncset.done $0x0  }
0x50: {  	[sflag:s15] =	ssyncadd.s32 $0xFFFFD800  }
0x51: {  	_ =	swait.ge [sflag:s12], $0x2800  }
0x52: {  	[sflag:s12] =	ssyncset.done $0x0  }
0x53: {  	[sflag:s12] =	ssyncadd.s32 $0xFFFFD800  }
0x54: {  	[spmem:s1] =	stream.indirect.scatter.add.f32 [tilespmem:s17], [sflag:$0x3], $0x80, s19, s16, $0xb8;
	[tilespmem:$0x1F780] =	vst v63  }
0x55: {  	_ =	swait.ge [sflag:s15], $0x2800  }
0x56: {  	s21 =	sadd.s32 $0x1, s21;
	[sflag:s15] =	ssyncset.done $0x0  }
0x57: {  	p0 =	sne.s32 s21, s10;
	[sflag:s15] =	ssyncadd.s32 $0xFFFFD800  }
.Ltmp1:
0x58: {  	[bflag:$0x0] =	sbarrier.arrive $0xFFFF;
	(pc) =	sbr.rel @p0 .LBB2_1-.Ltmp1, $4  }
0x59: {  	[hbm:s9], [sflag:s20] =	dma.local [spmem:s11], $0x2800  }
0x5a: {  	_ =	swait.ge [sflag:s15], $0x2800  }
0x5b: {  	[sflag:s15] =	ssyncset.done $0x0  }
0x5c: {  	[sflag:s15] =	ssyncadd.s32 $0xFFFFD800  }
0x5d: {  	_ =	sfence.sel $0x180000  }
0x5e: {  	[bflag:$0x0] =	sbarrier.arrive $0xFFFF  }
0x5f: {  	p0 =	sne.s32 s2, $0x0;
	_ =	strace $0x90000047  }
0x60: {  	s0 =	sadd.s32 @!p0 $0x100000, s0;
	[bflag:$0x2] =	sbarrier.arrive $0xFFFF  }
0x61: {  	[sflag:s0] =	ssyncadd.tile.s32 @!p0 $0x1;
	_ =	shalt  }
.Lfunc_end2:
_tile_overlayer_lowered:
.L_overlay_start_2:
0x62: {  	(tag) =	ssettag $0x2  }
0x63: {  	s0 =	rddreg [dreg:$0x0];
	s2 =	stileid.u32  }
0x64: {  	s1 =	rddreg [dreg:$0x1];
	p0 =	sne.s32 s2, $0x0  }
0x65: {  	s3 =	rddreg [dreg:$0x2];
	[bflag:$0x3] =	sbarrier.arrive $0xFFFF;
	s2 =	simm.s32 @!p0 $0x1C03  }
0x66: {  	[timem:s3], [sflag:s2] =	dma.local @!p0 [hbm:s0], s1  }
0x67: {  	s0 =	simm.s32 @!p0 $0x3  }
0x68: {  	_ =	swait.ge @!p0 [sflag:s0], s1  }
0x69: {  	s1 =	ssub.s32 @!p0 $0x0, s1;
	[sflag:s0] =	ssyncset.done @!p0 $0x0  }
0x6a: {  	[sflag:s0] =	ssyncadd.s32 @!p0 s1  }
0x6b: {  	[bflag:$0x3] =	sbarrier.arrive $0xFFFF  }
0x6c: {  	_ =	shalt  }

</sc_bundles>
